<compile_context>
chip_gen: v7x
topology: tpu7x:2x2x1
jax: 0.10.2.dev20260603
libtpu: 0.0.44.dev20260713+nightly
codegen_flags: <defaults>
</compile_context>

<pallas_src>
import jax
import jax.numpy as jnp
from jax import lax
from jax.experimental import pallas as pl
from jax.experimental.pallas import tpu as pltpu
from jax.experimental.pallas import tpu_sc as plsc

_NBUF = 6
_NC = 2
_NS = 16
_NW = _NC * _NS


def _sc_body(indices, labels, midx, mlab, ptr, outi, outl,
             ptr_v, idx_v, lab_v, msem):
    K = midx.shape[0]
    B = indices.shape[0]
    echunk = K // _NW

    wid = lax.axis_index("s") * _NC + lax.axis_index("c")
    e0 = wid * echunk

    pltpu.sync_copy(ptr, ptr_v.at[pl.ds(0, 1)])
    p = ptr_v[...][0]
    p = jnp.clip(p, 0, K - B)
    p = pl.multiple_of(p, 8)

    in_slab = jnp.logical_and(e0 >= p, e0 < p + B)

    @pl.when(in_slab)
    def _():
        pltpu.sync_copy(indices.at[pl.ds(e0 - p, echunk)], idx_v)
        pltpu.sync_copy(labels.at[pl.ds(e0 - p, echunk)], lab_v)

    @pl.when(jnp.logical_not(in_slab))
    def _():
        pltpu.sync_copy(midx.at[pl.ds(e0, echunk)], idx_v)
        pltpu.sync_copy(mlab.at[pl.ds(e0, echunk)], lab_v)

    hi = pltpu.async_copy(idx_v, outi.at[pl.ds(e0, echunk)], msem)
    hl = pltpu.async_copy(lab_v, outl.at[pl.ds(e0, echunk)], msem)
    hi.wait()
    hl.wait()


def _tc_body(ptr_ref, keys_ref, buf_hbm, outb_hbm,
             ring, keysT_v, gsems, ssems):
    f, K = buf_hbm.shape
    B = keys_ref.shape[0]
    CC = ring.shape[2]
    nchunks = K // CC
    p = ptr_ref[0]
    p = jnp.clip(p, 0, K - B)
    p = pl.multiple_of(p, 128)
    pslab = p // B

    def gather(i, b):
        return pltpu.make_async_copy(
            buf_hbm.at[:, pl.ds(i * CC, CC)], ring.at[b], gsems.at[b])

    def scatter(i, b):
        for h in range(CC // B):
            g = i * (CC // B) + h
            dst = outb_hbm.at[:, pl.ds(g * B, B)]

            @pl.when(g == pslab)
            def _():
                pltpu.make_async_copy(keysT_v, dst, ssems.at[b]).start()

            @pl.when(g != pslab)
            def _():
                pltpu.make_async_copy(
                    ring.at[b, :, pl.ds(h * B, B)], dst, ssems.at[b]).start()

        return pltpu.make_async_copy(
            ring.at[b], outb_hbm.at[:, pl.ds(i * CC, CC)], ssems.at[b])

    h_g = [None] * nchunks
    h_s = [None] * nchunks
    lag = _NBUF - 1
    for i in range(nchunks):
        b = i % _NBUF
        if i >= _NBUF:
            h_s[i - _NBUF].wait()
        h_g[i] = gather(i, b)
        h_g[i].start()
        if i == 0:
            keysT_v[...] = keys_ref[...].T
        k = i - lag
        if k >= 0:
            h_g[k].wait()
            h_s[k] = scatter(k, k % _NBUF)
    for k in range(max(nchunks - lag, 0), nchunks):
        h_g[k].wait()
        h_s[k] = scatter(k, k % _NBUF)
    for k in range(max(nchunks - _NBUF, 0), nchunks):
        h_s[k].wait()


def kernel(keys, indices, labels, buffer, mem_indices, mem_labels, ptr,
           num_updates):
    f, K = buffer.shape
    B = keys.shape[0]
    CC = 8192

    mesh = plsc.VectorSubcoreMesh(core_axis_name="c", subcore_axis_name="s")
    sck = pl.kernel(
        _sc_body,
        out_type=[
            jax.ShapeDtypeStruct((K,), mem_indices.dtype),
            jax.ShapeDtypeStruct((K,), mem_labels.dtype),
        ],
        mesh=mesh,
        scratch_types=[
            pltpu.VMEM((16,), jnp.int32),
            pltpu.VMEM((K // _NW,), jnp.int32),
            pltpu.VMEM((K // _NW,), jnp.int32),
            pltpu.SemaphoreType.DMA,
        ],
    )
    new_indices, new_labels = sck(indices, labels, mem_indices, mem_labels,
                                  ptr)

    new_buffer, = pl.pallas_call(
        _tc_body,
        in_specs=[
            pl.BlockSpec(memory_space=pltpu.SMEM),
            pl.BlockSpec(memory_space=pltpu.VMEM),
            pl.BlockSpec(memory_space=pl.MemorySpace.ANY),
        ],
        out_specs=[
            pl.BlockSpec(memory_space=pl.MemorySpace.ANY),
        ],
        out_shape=[
            jax.ShapeDtypeStruct((f, K), buffer.dtype),
        ],
        scratch_shapes=[
            pltpu.VMEM((_NBUF, f, CC), jnp.float32),
            pltpu.VMEM((f, B), keys.dtype),
            pltpu.SemaphoreType.DMA((_NBUF,)),
            pltpu.SemaphoreType.DMA((_NBUF,)),
        ],
    )(ptr, keys, buffer)

    p = ptr[0]
    is_reliable = (p + B) >= K
    new_ptr = jnp.reshape(((p + B) % K).astype(ptr.dtype), (1,))
    new_num_updates = num_updates + 1
    return (new_buffer, new_indices, new_labels, new_ptr, new_num_updates,
            is_reliable)

# --- scband reference (transcript-rebuilt; emitter-appended) ---
"""Pipeline reference for scband-memory-queue-46136538694117 (READ-ONLY COPY).

The authoritative reference and input builder live on the scoring server;
editing this copy changes nothing except your own understanding.
"""

import jax, jax.numpy as jnp
import numpy as np


def setup_inputs(seed: int = 0) -> dict:
    key = jax.random.key(seed)
    k1, k2, k3, k4 = jax.random.split(key, 4)
    f, K = 128, 65536
    B = 4096
    keys = jax.random.normal(k1, (B, f), dtype=jnp.float32)
    indices = jax.random.randint(k2, (B,), 0, 100000, dtype=jnp.int32)
    labels = jax.random.randint(k3, (B,), 0, 1000, dtype=jnp.int32)
    # buffers registered in __init__: buffer is column-normalized randn
    buffer = jax.random.normal(k4, (f, K), dtype=jnp.float32)
    buffer = buffer / jnp.linalg.norm(buffer, axis=0, keepdims=True)
    ptr = jnp.zeros((1,), dtype=jnp.int32)
    num_updates = jnp.zeros((1,), dtype=jnp.int32)
    mem_indices = jnp.zeros((K,), dtype=jnp.int32)
    mem_labels = jnp.zeros((K,), dtype=jnp.int32)
    return {
        "keys": keys,
        "indices": indices,
        "labels": labels,
        "buffer": buffer,
        "mem_indices": mem_indices,
        "mem_labels": mem_labels,
        "ptr": ptr,
        "num_updates": num_updates,
    }


def reference(keys, indices, labels, buffer, mem_indices, mem_labels, ptr, num_updates):
    # Faithful translation of MemoryQueue.update (single-process, so
    # concat_all_gather is the identity).
    K = buffer.shape[1]
    incoming = keys.shape[0]
    if K % incoming != 0:
        raise ValueError("Use exponentials of 2 for number of negatives.")
    p = ptr[0]
    # self.buffer[:, ptr:ptr+incoming] = keys.T  -> scatter-overwrite of a column slab
    new_buffer = jax.lax.dynamic_update_slice(buffer, keys.T, (jnp.zeros((), dtype=p.dtype), p))
    # self.labels[ptr:ptr+incoming] = labels
    new_labels = jax.lax.dynamic_update_slice(mem_labels, labels.astype(mem_labels.dtype), (p,))
    # self.indices[ptr:ptr+incoming] = indices
    new_indices = jax.lax.dynamic_update_slice(mem_indices, indices.astype(mem_indices.dtype), (p,))
    is_reliable = (p + incoming) >= K
    new_ptr = jnp.reshape(((p + incoming) % K).astype(ptr.dtype), (1,))
    new_num_updates = num_updates + 1
    return (new_buffer, new_indices, new_labels, new_ptr, new_num_updates, is_reliable)

if __name__ == "__main__":
    import jax
    _d = setup_inputs()
    print(jax.jit(kernel)(*tuple(_d.values())))

</pallas_src>

<mosaic_0001>
#map = affine_map<(d0, d1) -> (0)>
module attributes {stable_mosaic.version = 14 : i64} {
  func.func @_sc_body(%arg0: i32, %arg1: i32, %arg2: memref<4096xi32, #tpu.memory_space<hbm>>, %arg3: memref<4096xi32, #tpu.memory_space<hbm>>, %arg4: memref<65536xi32, #tpu.memory_space<hbm>>, %arg5: memref<65536xi32, #tpu.memory_space<hbm>>, %arg6: memref<1xi32, #tpu.memory_space<hbm>>, %arg7: memref<65536xi32, #tpu.memory_space<hbm>>, %arg8: memref<65536xi32, #tpu.memory_space<hbm>>, %arg9: memref<16xi32, #tpu.memory_space<vmem>>, %arg10: memref<2048xi32, #tpu.memory_space<vmem>>, %arg11: memref<2048xi32, #tpu.memory_space<vmem>>, %arg12: memref<!tpu.dma_semaphore, #tpu.memory_space<semaphore_mem>>) attributes {dimension_semantics = [#tpu.dimension_semantics<core_parallel>, #tpu.dimension_semantics<subcore_parallel>], iteration_bounds = array<i64: 2, 16>, scalar_prefetch = 0 : i64, scratch_operands = 4 : i64, tpu.core_type = #tpu.core_type<sc_vector_subcore>, window_params = [{transform_indices = #map}, {transform_indices = #map}, {transform_indices = #map}, {transform_indices = #map}, {transform_indices = #map}, {transform_indices = #map}, {transform_indices = #map}]} {
    %mul3A = arith.constant 2 : i32
    %mul3A_0 = arith.muli %arg1, %mul3A : i32
    %add3A = arith.addi %mul3A_0, %arg0 : i32
    %mul3A_1 = arith.constant 2048 : i32
    %mul3A_2 = arith.muli %add3A, %mul3A_1 : i32
    "tpu.region"() ({
      %run_scoped3A = tpu.sem_alloc : memref<!tpu.dma_semaphore, #tpu.memory_space<semaphore_mem>>
      %dma_start3A_19 = arith.constant 0 : i32
      %dma_start3A_20 = tpu.memref_slice %arg9[%dma_start3A_19] : memref<16xi32, #tpu.memory_space<vmem>> -> memref<1xi32, #tpu.memory_space<vmem>>
      %dma_start3A_21 = arith.constant 0 : i32
      %dma_start3A_22 = tpu.memref_slice %arg9[%dma_start3A_21] : memref<16xi32, #tpu.memory_space<vmem>> -> memref<1xi32, #tpu.memory_space<vmem>>
      tpu.enqueue_dma source(%arg6 : memref<1xi32, #tpu.memory_space<hbm>>) target(%dma_start3A_22 : memref<1xi32, #tpu.memory_space<vmem>>) target_semaphore(%run_scoped3A : memref<!tpu.dma_semaphore, #tpu.memory_space<semaphore_mem>>)
      %dma_wait3A_23 = arith.constant 0 : i32
      %dma_wait3A_24 = tpu.memref_slice %arg9[%dma_wait3A_23] : memref<16xi32, #tpu.memory_space<vmem>> -> memref<1xi32, #tpu.memory_space<vmem>>
      %dma_wait3A_25 = arith.constant 0 : i32
      %dma_wait3A_26 = tpu.memref_slice %arg9[%dma_wait3A_25] : memref<16xi32, #tpu.memory_space<vmem>> -> memref<1xi32, #tpu.memory_space<vmem>>
      tpu.wait_dma2 semaphore(%run_scoped3A : memref<!tpu.dma_semaphore, #tpu.memory_space<semaphore_mem>>) src(%arg6 : memref<1xi32, #tpu.memory_space<hbm>>) dst(%dma_wait3A_26 : memref<1xi32, #tpu.memory_space<vmem>>)
      tpu.yield
    }) : () -> ()
    %get3A = arith.constant 0 : index
    %get3A_3 = tpu.vector_load %arg9[%get3A] {strides = array<i32>} : memref<16xi32, #tpu.memory_space<vmem>>, vector<16xi32>,
    %get3A_4 = vector.shape_cast %get3A_3 : vector<16xi32> to vector<16xi32>
    %slice3A = vector.extract_strided_slice %get3A_4 {offsets = [0], sizes = [1], strides = [1]} : vector<16xi32> to vector<1xi32>
    %squeeze3A = vector.extract %slice3A[0] : i32 from vector<1xi32>
    %jit3A = arith.constant 0 : i32
    %jit3A_5 = arith.constant 61440 : i32
    %max3A = arith.maxsi %jit3A, %squeeze3A : i32
    %min3A = arith.minsi %jit3A_5, %max3A : i32
    %multiple_of3A = tpu.assume_multiple %min3A, 8 : i32
    %ge3A = arith.cmpi sge, %mul3A_2, %multiple_of3A : i32
    %add3A_6 = arith.constant 4096 : i32
    %add3A_7 = arith.addi %multiple_of3A, %add3A_6 : i32
    %lt3A = arith.cmpi slt, %mul3A_2, %add3A_7 : i32
    %and3A = arith.andi %ge3A, %lt3A : i1
    %convert_element_type3A = arith.extui %and3A : i1 to i32
    %cond3A = arith.constant 0 : i32
    %cond3A_8 = arith.cmpi ne, %convert_element_type3A, %cond3A : i32
    scf.if %cond3A_8 {
      %sub3A = arith.subi %mul3A_2, %multiple_of3A : i32
      "tpu.region"() ({
        %run_scoped3A = tpu.sem_alloc : memref<!tpu.dma_semaphore, #tpu.memory_space<semaphore_mem>>
        %dma_start3A_20 = tpu.memref_slice %arg2[%sub3A] : memref<4096xi32, #tpu.memory_space<hbm>> -> memref<2048xi32, #tpu.memory_space<hbm>>
        %dma_start3A_21 = tpu.memref_slice %arg2[%sub3A] : memref<4096xi32, #tpu.memory_space<hbm>> -> memref<2048xi32, #tpu.memory_space<hbm>>
        tpu.enqueue_dma source(%dma_start3A_21 : memref<2048xi32, #tpu.memory_space<hbm>>) target(%arg10 : memref<2048xi32, #tpu.memory_space<vmem>>) target_semaphore(%run_scoped3A : memref<!tpu.dma_semaphore, #tpu.memory_space<semaphore_mem>>)
        %dma_wait3A_22 = tpu.memref_slice %arg2[%sub3A] : memref<4096xi32, #tpu.memory_space<hbm>> -> memref<2048xi32, #tpu.memory_space<hbm>>
        %dma_wait3A_23 = tpu.memref_slice %arg2[%sub3A] : memref<4096xi32, #tpu.memory_space<hbm>> -> memref<2048xi32, #tpu.memory_space<hbm>>
        tpu.wait_dma2 semaphore(%run_scoped3A : memref<!tpu.dma_semaphore, #tpu.memory_space<semaphore_mem>>) src(%dma_wait3A_23 : memref<2048xi32, #tpu.memory_space<hbm>>) dst(%arg10 : memref<2048xi32, #tpu.memory_space<vmem>>)
        tpu.yield
      }) : () -> ()
      %sub3A_19 = arith.subi %mul3A_2, %multiple_of3A : i32
      "tpu.region"() ({
        %run_scoped3A = tpu.sem_alloc : memref<!tpu.dma_semaphore, #tpu.memory_space<semaphore_mem>>
        %dma_start3A_20 = tpu.memref_slice %arg3[%sub3A_19] : memref<4096xi32, #tpu.memory_space<hbm>> -> memref<2048xi32, #tpu.memory_space<hbm>>
        %dma_start3A_21 = tpu.memref_slice %arg3[%sub3A_19] : memref<4096xi32, #tpu.memory_space<hbm>> -> memref<2048xi32, #tpu.memory_space<hbm>>
        tpu.enqueue_dma source(%dma_start3A_21 : memref<2048xi32, #tpu.memory_space<hbm>>) target(%arg11 : memref<2048xi32, #tpu.memory_space<vmem>>) target_semaphore(%run_scoped3A : memref<!tpu.dma_semaphore, #tpu.memory_space<semaphore_mem>>)
        %dma_wait3A_22 = tpu.memref_slice %arg3[%sub3A_19] : memref<4096xi32, #tpu.memory_space<hbm>> -> memref<2048xi32, #tpu.memory_space<hbm>>
        %dma_wait3A_23 = tpu.memref_slice %arg3[%sub3A_19] : memref<4096xi32, #tpu.memory_space<hbm>> -> memref<2048xi32, #tpu.memory_space<hbm>>
        tpu.wait_dma2 semaphore(%run_scoped3A : memref<!tpu.dma_semaphore, #tpu.memory_space<semaphore_mem>>) src(%dma_wait3A_23 : memref<2048xi32, #tpu.memory_space<hbm>>) dst(%arg11 : memref<2048xi32, #tpu.memory_space<vmem>>)
        tpu.yield
      }) : () -> ()
    } else {
    }
    %not3A = arith.constant true
    %not3A_9 = arith.xori %and3A, %not3A : i1
    %convert_element_type3A_10 = arith.extui %not3A_9 : i1 to i32
    %cond3A_11 = arith.constant 0 : i32
    %cond3A_12 = arith.cmpi ne, %convert_element_type3A_10, %cond3A_11 : i32
    scf.if %cond3A_12 {
      "tpu.region"() ({
        %run_scoped3A = tpu.sem_alloc : memref<!tpu.dma_semaphore, #tpu.memory_space<semaphore_mem>>
        %dma_start3A_19 = tpu.memref_slice %arg4[%mul3A_2] : memref<65536xi32, #tpu.memory_space<hbm>> -> memref<2048xi32, #tpu.memory_space<hbm>>
        %dma_start3A_20 = tpu.memref_slice %arg4[%mul3A_2] : memref<65536xi32, #tpu.memory_space<hbm>> -> memref<2048xi32, #tpu.memory_space<hbm>>
        tpu.enqueue_dma source(%dma_start3A_20 : memref<2048xi32, #tpu.memory_space<hbm>>) target(%arg10 : memref<2048xi32, #tpu.memory_space<vmem>>) target_semaphore(%run_scoped3A : memref<!tpu.dma_semaphore, #tpu.memory_space<semaphore_mem>>)
        %dma_wait3A_21 = tpu.memref_slice %arg4[%mul3A_2] : memref<65536xi32, #tpu.memory_space<hbm>> -> memref<2048xi32, #tpu.memory_space<hbm>>
        %dma_wait3A_22 = tpu.memref_slice %arg4[%mul3A_2] : memref<65536xi32, #tpu.memory_space<hbm>> -> memref<2048xi32, #tpu.memory_space<hbm>>
        tpu.wait_dma2 semaphore(%run_scoped3A : memref<!tpu.dma_semaphore, #tpu.memory_space<semaphore_mem>>) src(%dma_wait3A_22 : memref<2048xi32, #tpu.memory_space<hbm>>) dst(%arg10 : memref<2048xi32, #tpu.memory_space<vmem>>)
        tpu.yield
      }) : () -> ()
      "tpu.region"() ({
        %run_scoped3A = tpu.sem_alloc : memref<!tpu.dma_semaphore, #tpu.memory_space<semaphore_mem>>
        %dma_start3A_19 = tpu.memref_slice %arg5[%mul3A_2] : memref<65536xi32, #tpu.memory_space<hbm>> -> memref<2048xi32, #tpu.memory_space<hbm>>
        %dma_start3A_20 = tpu.memref_slice %arg5[%mul3A_2] : memref<65536xi32, #tpu.memory_space<hbm>> -> memref<2048xi32, #tpu.memory_space<hbm>>
        tpu.enqueue_dma source(%dma_start3A_20 : memref<2048xi32, #tpu.memory_space<hbm>>) target(%arg11 : memref<2048xi32, #tpu.memory_space<vmem>>) target_semaphore(%run_scoped3A : memref<!tpu.dma_semaphore, #tpu.memory_space<semaphore_mem>>)
        %dma_wait3A_21 = tpu.memref_slice %arg5[%mul3A_2] : memref<65536xi32, #tpu.memory_space<hbm>> -> memref<2048xi32, #tpu.memory_space<hbm>>
        %dma_wait3A_22 = tpu.memref_slice %arg5[%mul3A_2] : memref<65536xi32, #tpu.memory_space<hbm>> -> memref<2048xi32, #tpu.memory_space<hbm>>
        tpu.wait_dma2 semaphore(%run_scoped3A : memref<!tpu.dma_semaphore, #tpu.memory_space<semaphore_mem>>) src(%dma_wait3A_22 : memref<2048xi32, #tpu.memory_space<hbm>>) dst(%arg11 : memref<2048xi32, #tpu.memory_space<vmem>>)
        tpu.yield
      }) : () -> ()
    } else {
    }
    %dma_start3A = tpu.memref_slice %arg7[%mul3A_2] : memref<65536xi32, #tpu.memory_space<hbm>> -> memref<2048xi32, #tpu.memory_space<hbm>>
    %dma_start3A_13 = tpu.memref_slice %arg7[%mul3A_2] : memref<65536xi32, #tpu.memory_space<hbm>> -> memref<2048xi32, #tpu.memory_space<hbm>>
    tpu.enqueue_dma source(%arg10 : memref<2048xi32, #tpu.memory_space<vmem>>) target(%dma_start3A_13 : memref<2048xi32, #tpu.memory_space<hbm>>) target_semaphore(%arg12 : memref<!tpu.dma_semaphore, #tpu.memory_space<semaphore_mem>>)
    %dma_start3A_14 = tpu.memref_slice %arg8[%mul3A_2] : memref<65536xi32, #tpu.memory_space<hbm>> -> memref<2048xi32, #tpu.memory_space<hbm>>
    %dma_start3A_15 = tpu.memref_slice %arg8[%mul3A_2] : memref<65536xi32, #tpu.memory_space<hbm>> -> memref<2048xi32, #tpu.memory_space<hbm>>
    tpu.enqueue_dma source(%arg11 : memref<2048xi32, #tpu.memory_space<vmem>>) target(%dma_start3A_15 : memref<2048xi32, #tpu.memory_space<hbm>>) target_semaphore(%arg12 : memref<!tpu.dma_semaphore, #tpu.memory_space<semaphore_mem>>)
    %dma_wait3A = tpu.memref_slice %arg7[%mul3A_2] : memref<65536xi32, #tpu.memory_space<hbm>> -> memref<2048xi32, #tpu.memory_space<hbm>>
    %dma_wait3A_16 = tpu.memref_slice %arg7[%mul3A_2] : memref<65536xi32, #tpu.memory_space<hbm>> -> memref<2048xi32, #tpu.memory_space<hbm>>
    tpu.wait_dma2 semaphore(%arg12 : memref<!tpu.dma_semaphore, #tpu.memory_space<semaphore_mem>>) src(%arg10 : memref<2048xi32, #tpu.memory_space<vmem>>) dst(%dma_wait3A_16 : memref<2048xi32, #tpu.memory_space<hbm>>)
    %dma_wait3A_17 = tpu.memref_slice %arg8[%mul3A_2] : memref<65536xi32, #tpu.memory_space<hbm>> -> memref<2048xi32, #tpu.memory_space<hbm>>
    %dma_wait3A_18 = tpu.memref_slice %arg8[%mul3A_2] : memref<65536xi32, #tpu.memory_space<hbm>> -> memref<2048xi32, #tpu.memory_space<hbm>>
    tpu.wait_dma2 semaphore(%arg12 : memref<!tpu.dma_semaphore, #tpu.memory_space<semaphore_mem>>) src(%arg11 : memref<2048xi32, #tpu.memory_space<vmem>>) dst(%dma_wait3A_18 : memref<2048xi32, #tpu.memory_space<hbm>>)
    return
  }
}

module attributes {stable_mosaic.version = 14 : i64} {
  func.func @_tc_body(%arg0: memref<1xi32, #tpu.memory_space<smem>>, %arg1: memref<4096x128xf32, #tpu.memory_space<vmem>>, %arg2: memref<128x65536xf32, #tpu.memory_space<any>>, %arg3: memref<128x65536xf32, #tpu.memory_space<any>>, %arg4: memref<6x128x8192xf32, #tpu.memory_space<vmem>>, %arg5: memref<128x4096xf32, #tpu.memory_space<vmem>>, %arg6: memref<6x!tpu.dma_semaphore, #tpu.memory_space<semaphore_mem>>, %arg7: memref<6x!tpu.dma_semaphore, #tpu.memory_space<semaphore_mem>>) attributes {dimension_semantics = [], scalar_prefetch = 0 : i64, scratch_operands = 4 : i64, tpu.core_type = #tpu.core_type<tc>} {
    %get3A = arith.constant 0 : index
    %get3A_0 = memref.load %arg0[%get3A] : memref<1xi32, #tpu.memory_space<smem>>
    %jit3A = arith.constant 0 : i32
    %jit3A_1 = arith.constant 61440 : i32
    %max3A = arith.maxsi %jit3A, %get3A_0 : i32
    %min3A = arith.minsi %jit3A_1, %max3A : i32
    %multiple_of3A = tpu.assume_multiple %min3A, 128 : i32
    %jit3A_2 = arith.constant 4096 : i32
    %div3A = arith.divsi %multiple_of3A, %jit3A_2 : i32
    %sign3A = arith.constant 0 : i32
    %sign3A_3 = arith.cmpi sgt, %multiple_of3A, %sign3A : i32
    %sign3A_4 = arith.extui %sign3A_3 : i1 to i32
    %sign3A_5 = arith.constant 0 : i32
    %sign3A_6 = arith.cmpi slt, %multiple_of3A, %sign3A_5 : i32
    %sign3A_7 = arith.extui %sign3A_6 : i1 to i32
    %sign3A_8 = arith.subi %sign3A_4, %sign3A_7 : i32
    %sign3A_9 = arith.constant 0 : i32
    %sign3A_10 = arith.cmpi sgt, %jit3A_2, %sign3A_9 : i32
    %sign3A_11 = arith.extui %sign3A_10 : i1 to i32
    %sign3A_12 = arith.constant 0 : i32
    %sign3A_13 = arith.cmpi slt, %jit3A_2, %sign3A_12 : i32
    %sign3A_14 = arith.extui %sign3A_13 : i1 to i32
    %sign3A_15 = arith.subi %sign3A_11, %sign3A_14 : i32
    %ne3A = arith.cmpi ne, %sign3A_8, %sign3A_15 : i32
    %rem3A = arith.remsi %multiple_of3A, %jit3A_2 : i32
    %ne3A_16 = arith.constant 0 : i32
    %ne3A_17 = arith.cmpi ne, %rem3A, %ne3A_16 : i32
    %and3A = arith.andi %ne3A, %ne3A_17 : i1
    %sub3A = arith.constant 1 : i32
    %sub3A_18 = arith.subi %div3A, %sub3A : i32
    %select_n3A = arith.select %and3A, %sub3A_18, %div3A : i32
    %dma_start3A = arith.constant 0 : i32
    %dma_start3A_19 = arith.constant 0 : i32
    %dma_start3A_20 = tpu.memref_slice %arg6[%dma_start3A_19] : memref<6x!tpu.dma_semaphore, #tpu.memory_space<semaphore_mem>> -> memref<1x!tpu.dma_semaphore, #tpu.memory_space<semaphore_mem>>
    %dma_start3A_21 = tpu.memref_squeeze %dma_start3A_20 : memref<1x!tpu.dma_semaphore, #tpu.memory_space<semaphore_mem>> -> memref<!tpu.dma_semaphore, #tpu.memory_space<semaphore_mem>>
    %dma_start3A_22 = arith.constant 0 : i32
    %dma_start3A_23 = arith.constant 0 : i32
    %dma_start3A_24 = tpu.memref_slice %arg4[%dma_start3A, %dma_start3A_22, %dma_start3A_23] : memref<6x128x8192xf32, #tpu.memory_space<vmem>> -> memref<1x128x8192xf32, #tpu.memory_space<vmem>>
    %dma_start3A_25 = tpu.memref_squeeze %dma_start3A_24 : memref<1x128x8192xf32, #tpu.memory_space<vmem>> -> memref<128x8192xf32, #tpu.memory_space<vmem>>
    %dma_start3A_26 = arith.constant 0 : i32
    %dma_start3A_27 = arith.constant 0 : i32
    %dma_start3A_28 = tpu.memref_slice %arg2[%dma_start3A_26, %dma_start3A_27] : memref<128x65536xf32, #tpu.memory_space<any>> -> memref<128x8192xf32, #tpu.memory_space<any>>
    tpu.enqueue_dma source(%dma_start3A_28 : memref<128x8192xf32, #tpu.memory_space<any>>) target(%dma_start3A_25 : memref<128x8192xf32, #tpu.memory_space<vmem>>) target_semaphore(%dma_start3A_21 : memref<!tpu.dma_semaphore, #tpu.memory_space<semaphore_mem>>)
    %get3A_29 = arith.constant 0 : index
    %get3A_30 = arith.constant 0 : index
    %get3A_31 = vector.load %arg1[%get3A_29, %get3A_30] : memref<4096x128xf32, #tpu.memory_space<vmem>>, vector<4096x128xf32>
    %transpose3A = tpu.transpose %get3A_31, [1, 0] : vector<4096x128xf32> -> vector<128x4096xf32>
    %swap3A = arith.constant 0 : index
    %swap3A_32 = arith.constant 0 : index
    %swap3A_33 = vector.load %arg5[%swap3A, %swap3A_32] : memref<128x4096xf32, #tpu.memory_space<vmem>>, vector<128x4096xf32>
    tpu.vector_store %arg5[%swap3A, %swap3A_32], %transpose3A {strides = array<i32>} : memref<128x4096xf32, #tpu.memory_space<vmem>>, vector<128x4096xf32>,
    %dma_start3A_34 = arith.constant 1 : i32
    %dma_start3A_35 = arith.constant 1 : i32
    %dma_start3A_36 = tpu.memref_slice %arg6[%dma_start3A_35] : memref<6x!tpu.dma_semaphore, #tpu.memory_space<semaphore_mem>> -> memref<1x!tpu.dma_semaphore, #tpu.memory_space<semaphore_mem>>
    %dma_start3A_37 = tpu.memref_squeeze %dma_start3A_36 : memref<1x!tpu.dma_semaphore, #tpu.memory_space<semaphore_mem>> -> memref<!tpu.dma_semaphore, #tpu.memory_space<semaphore_mem>>
    %dma_start3A_38 = arith.constant 0 : i32
    %dma_start3A_39 = arith.constant 0 : i32
    %dma_start3A_40 = tpu.memref_slice %arg4[%dma_start3A_34, %dma_start3A_38, %dma_start3A_39] : memref<6x128x8192xf32, #tpu.memory_space<vmem>> -> memref<1x128x8192xf32, #tpu.memory_space<vmem>>
    %dma_start3A_41 = tpu.memref_squeeze %dma_start3A_40 : memref<1x128x8192xf32, #tpu.memory_space<vmem>> -> memref<128x8192xf32, #tpu.memory_space<vmem>>
    %dma_start3A_42 = arith.constant 0 : i32
    %dma_start3A_43 = arith.constant 8192 : i32
    %dma_start3A_44 = tpu.memref_slice %arg2[%dma_start3A_42, %dma_start3A_43] : memref<128x65536xf32, #tpu.memory_space<any>> -> memref<128x8192xf32, #tpu.memory_space<any>>
    tpu.enqueue_dma source(%dma_start3A_44 : memref<128x8192xf32, #tpu.memory_space<any>>) target(%dma_start3A_41 : memref<128x8192xf32, #tpu.memory_space<vmem>>) target_semaphore(%dma_start3A_37 : memref<!tpu.dma_semaphore, #tpu.memory_space<semaphore_mem>>)
    %dma_start3A_45 = arith.constant 2 : i32
    %dma_start3A_46 = arith.constant 2 : i32
    %dma_start3A_47 = tpu.memref_slice %arg6[%dma_start3A_46] : memref<6x!tpu.dma_semaphore, #tpu.memory_space<semaphore_mem>> -> memref<1x!tpu.dma_semaphore, #tpu.memory_space<semaphore_mem>>
    %dma_start3A_48 = tpu.memref_squeeze %dma_start3A_47 : memref<1x!tpu.dma_semaphore, #tpu.memory_space<semaphore_mem>> -> memref<!tpu.dma_semaphore, #tpu.memory_space<semaphore_mem>>
    %dma_start3A_49 = arith.constant 0 : i32
    %dma_start3A_50 = arith.constant 0 : i32
    %dma_start3A_51 = tpu.memref_slice %arg4[%dma_start3A_45, %dma_start3A_49, %dma_start3A_50] : memref<6x128x8192xf32, #tpu.memory_space<vmem>> -> memref<1x128x8192xf32, #tpu.memory_space<vmem>>
    %dma_start3A_52 = tpu.memref_squeeze %dma_start3A_51 : memref<1x128x8192xf32, #tpu.memory_space<vmem>> -> memref<128x8192xf32, #tpu.memory_space<vmem>>
    %dma_start3A_53 = arith.constant 0 : i32
    %dma_start3A_54 = arith.constant 16384 : i32
    %dma_start3A_55 = tpu.memref_slice %arg2[%dma_start3A_53, %dma_start3A_54] : memref<128x65536xf32, #tpu.memory_space<any>> -> memref<128x8192xf32, #tpu.memory_space<any>>
    tpu.enqueue_dma source(%dma_start3A_55 : memref<128x8192xf32, #tpu.memory_space<any>>) target(%dma_start3A_52 : memref<128x8192xf32, #tpu.memory_space<vmem>>) target_semaphore(%dma_start3A_48 : memref<!tpu.dma_semaphore, #tpu.memory_space<semaphore_mem>>)
    %dma_start3A_56 = arith.constant 3 : i32
    %dma_start3A_57 = arith.constant 3 : i32
    %dma_start3A_58 = tpu.memref_slice %arg6[%dma_start3A_57] : memref<6x!tpu.dma_semaphore, #tpu.memory_space<semaphore_mem>> -> memref<1x!tpu.dma_semaphore, #tpu.memory_space<semaphore_mem>>
    %dma_start3A_59 = tpu.memref_squeeze %dma_start3A_58 : memref<1x!tpu.dma_semaphore, #tpu.memory_space<semaphore_mem>> -> memref<!tpu.dma_semaphore, #tpu.memory_space<semaphore_mem>>
    %dma_start3A_60 = arith.constant 0 : i32
    %dma_start3A_61 = arith.constant 0 : i32
    %dma_start3A_62 = tpu.memref_slice %arg4[%dma_start3A_56, %dma_start3A_60, %dma_start3A_61] : memref<6x128x8192xf32, #tpu.memory_space<vmem>> -> memref<1x128x8192xf32, #tpu.memory_space<vmem>>
    %dma_start3A_63 = tpu.memref_squeeze %dma_start3A_62 : memref<1x128x8192xf32, #tpu.memory_space<vmem>> -> memref<128x8192xf32, #tpu.memory_space<vmem>>
    %dma_start3A_64 = arith.constant 0 : i32
    %dma_start3A_65 = arith.constant 24576 : i32
    %dma_start3A_66 = tpu.memref_slice %arg2[%dma_start3A_64, %dma_start3A_65] : memref<128x65536xf32, #tpu.memory_space<any>> -> memref<128x8192xf32, #tpu.memory_space<any>>
    tpu.enqueue_dma source(%dma_start3A_66 : memref<128x8192xf32, #tpu.memory_space<any>>) target(%dma_start3A_63 : memref<128x8192xf32, #tpu.memory_space<vmem>>) target_semaphore(%dma_start3A_59 : memref<!tpu.dma_semaphore, #tpu.memory_space<semaphore_mem>>)
    %dma_start3A_67 = arith.constant 4 : i32
    %dma_start3A_68 = arith.constant 4 : i32
    %dma_start3A_69 = tpu.memref_slice %arg6[%dma_start3A_68] : memref<6x!tpu.dma_semaphore, #tpu.memory_space<semaphore_mem>> -> memref<1x!tpu.dma_semaphore, #tpu.memory_space<semaphore_mem>>
    %dma_start3A_70 = tpu.memref_squeeze %dma_start3A_69 : memref<1x!tpu.dma_semaphore, #tpu.memory_space<semaphore_mem>> -> memref<!tpu.dma_semaphore, #tpu.memory_space<semaphore_mem>>
    %dma_start3A_71 = arith.constant 0 : i32
    %dma_start3A_72 = arith.constant 0 : i32
    %dma_start3A_73 = tpu.memref_slice %arg4[%dma_start3A_67, %dma_start3A_71, %dma_start3A_72] : memref<6x128x8192xf32, #tpu.memory_space<vmem>> -> memref<1x128x8192xf32, #tpu.memory_space<vmem>>
    %dma_start3A_74 = tpu.memref_squeeze %dma_start3A_73 : memref<1x128x8192xf32, #tpu.memory_space<vmem>> -> memref<128x8192xf32, #tpu.memory_space<vmem>>
    %dma_start3A_75 = arith.constant 0 : i32
    %dma_start3A_76 = arith.constant 32768 : i32
    %dma_start3A_77 = tpu.memref_slice %arg2[%dma_start3A_75, %dma_start3A_76] : memref<128x65536xf32, #tpu.memory_space<any>> -> memref<128x8192xf32, #tpu.memory_space<any>>
    tpu.enqueue_dma source(%dma_start3A_77 : memref<128x8192xf32, #tpu.memory_space<any>>) target(%dma_start3A_74 : memref<128x8192xf32, #tpu.memory_space<vmem>>) target_semaphore(%dma_start3A_70 : memref<!tpu.dma_semaphore, #tpu.memory_space<semaphore_mem>>)
    %dma_start3A_78 = arith.constant 5 : i32
    %dma_start3A_79 = arith.constant 5 : i32
    %dma_start3A_80 = tpu.memref_slice %arg6[%dma_start3A_79] : memref<6x!tpu.dma_semaphore, #tpu.memory_space<semaphore_mem>> -> memref<1x!tpu.dma_semaphore, #tpu.memory_space<semaphore_mem>>
    %dma_start3A_81 = tpu.memref_squeeze %dma_start3A_80 : memref<1x!tpu.dma_semaphore, #tpu.memory_space<semaphore_mem>> -> memref<!tpu.dma_semaphore, #tpu.memory_space<semaphore_mem>>
    %dma_start3A_82 = arith.constant 0 : i32
    %dma_start3A_83 = arith.constant 0 : i32
    %dma_start3A_84 = tpu.memref_slice %arg4[%dma_start3A_78, %dma_start3A_82, %dma_start3A_83] : memref<6x128x8192xf32, #tpu.memory_space<vmem>> -> memref<1x128x8192xf32, #tpu.memory_space<vmem>>
    %dma_start3A_85 = tpu.memref_squeeze %dma_start3A_84 : memref<1x128x8192xf32, #tpu.memory_space<vmem>> -> memref<128x8192xf32, #tpu.memory_space<vmem>>
    %dma_start3A_86 = arith.constant 0 : i32
    %dma_start3A_87 = arith.constant 40960 : i32
    %dma_start3A_88 = tpu.memref_slice %arg2[%dma_start3A_86, %dma_start3A_87] : memref<128x65536xf32, #tpu.memory_space<any>> -> memref<128x8192xf32, #tpu.memory_space<any>>
    tpu.enqueue_dma source(%dma_start3A_88 : memref<128x8192xf32, #tpu.memory_space<any>>) target(%dma_start3A_85 : memref<128x8192xf32, #tpu.memory_space<vmem>>) target_semaphore(%dma_start3A_81 : memref<!tpu.dma_semaphore, #tpu.memory_space<semaphore_mem>>)
    %dma_wait3A = arith.constant 0 : i32
    %dma_wait3A_89 = arith.constant 0 : i32
    %dma_wait3A_90 = tpu.memref_slice %arg6[%dma_wait3A_89] : memref<6x!tpu.dma_semaphore, #tpu.memory_space<semaphore_mem>> -> memref<1x!tpu.dma_semaphore, #tpu.memory_space<semaphore_mem>>
    %dma_wait3A_91 = tpu.memref_squeeze %dma_wait3A_90 : memref<1x!tpu.dma_semaphore, #tpu.memory_space<semaphore_mem>> -> memref<!tpu.dma_semaphore, #tpu.memory_space<semaphore_mem>>
    %dma_wait3A_92 = arith.constant 0 : i32
    %dma_wait3A_93 = arith.constant 0 : i32
    %dma_wait3A_94 = tpu.memref_slice %arg4[%dma_wait3A, %dma_wait3A_92, %dma_wait3A_93] : memref<6x128x8192xf32, #tpu.memory_space<vmem>> -> memref<1x128x8192xf32, #tpu.memory_space<vmem>>
    %dma_wait3A_95 = tpu.memref_squeeze %dma_wait3A_94 : memref<1x128x8192xf32, #tpu.memory_space<vmem>> -> memref<128x8192xf32, #tpu.memory_space<vmem>>
    %dma_wait3A_96 = arith.constant 0 : i32
    %dma_wait3A_97 = arith.constant 0 : i32
    %dma_wait3A_98 = tpu.memref_slice %arg2[%dma_wait3A_96, %dma_wait3A_97] : memref<128x65536xf32, #tpu.memory_space<any>> -> memref<128x8192xf32, #tpu.memory_space<any>>
    tpu.wait_dma2 semaphore(%dma_wait3A_91 : memref<!tpu.dma_semaphore, #tpu.memory_space<semaphore_mem>>) src(%dma_wait3A_98 : memref<128x8192xf32, #tpu.memory_space<any>>) dst(%dma_wait3A_95 : memref<128x8192xf32, #tpu.memory_space<vmem>>)
    %eq3A = arith.constant 0 : i32
    %eq3A_99 = arith.cmpi eq, %select_n3A, %eq3A : i32
    %convert_element_type3A = arith.extui %eq3A_99 : i1 to i32
    %cond3A = arith.constant 0 : i32
    %cond3A_100 = arith.cmpi ne, %convert_element_type3A, %cond3A : i32
    scf.if %cond3A_100 {
      %dma_start3A_443 = arith.constant 0 : i32
      %dma_start3A_444 = tpu.memref_slice %arg7[%dma_start3A_443] : memref<6x!tpu.dma_semaphore, #tpu.memory_space<semaphore_mem>> -> memref<1x!tpu.dma_semaphore, #tpu.memory_space<semaphore_mem>>
      %dma_start3A_445 = tpu.memref_squeeze %dma_start3A_444 : memref<1x!tpu.dma_semaphore, #tpu.memory_space<semaphore_mem>> -> memref<!tpu.dma_semaphore, #tpu.memory_space<semaphore_mem>>
      %dma_start3A_446 = arith.constant 0 : i32
      %dma_start3A_447 = arith.constant 0 : i32
      %dma_start3A_448 = tpu.memref_slice %arg3[%dma_start3A_446, %dma_start3A_447] : memref<128x65536xf32, #tpu.memory_space<any>> -> memref<128x4096xf32, #tpu.memory_space<any>>
      tpu.enqueue_dma source(%arg5 : memref<128x4096xf32, #tpu.memory_space<vmem>>) target(%dma_start3A_448 : memref<128x4096xf32, #tpu.memory_space<any>>) target_semaphore(%dma_start3A_445 : memref<!tpu.dma_semaphore, #tpu.memory_space<semaphore_mem>>)
    } else {
    }
    %ne3A_101 = arith.constant 0 : i32
    %ne3A_102 = arith.cmpi ne, %select_n3A, %ne3A_101 : i32
    %convert_element_type3A_103 = arith.extui %ne3A_102 : i1 to i32
    %cond3A_104 = arith.constant 0 : i32
    %cond3A_105 = arith.cmpi ne, %convert_element_type3A_103, %cond3A_104 : i32
    scf.if %cond3A_105 {
      %dma_start3A_443 = arith.constant 0 : i32
      %dma_start3A_444 = arith.constant 0 : i32
      %dma_start3A_445 = tpu.memref_slice %arg7[%dma_start3A_444] : memref<6x!tpu.dma_semaphore, #tpu.memory_space<semaphore_mem>> -> memref<1x!tpu.dma_semaphore, #tpu.memory_space<semaphore_mem>>
      %dma_start3A_446 = tpu.memref_squeeze %dma_start3A_445 : memref<1x!tpu.dma_semaphore, #tpu.memory_space<semaphore_mem>> -> memref<!tpu.dma_semaphore, #tpu.memory_space<semaphore_mem>>
      %dma_start3A_447 = arith.constant 0 : i32
      %dma_start3A_448 = arith.constant 0 : i32
      %dma_start3A_449 = tpu.memref_slice %arg3[%dma_start3A_447, %dma_start3A_448] : memref<128x65536xf32, #tpu.memory_space<any>> -> memref<128x4096xf32, #tpu.memory_space<any>>
      %dma_start3A_450 = arith.constant 0 : i32
      %dma_start3A_451 = arith.constant 0 : i32
      %dma_start3A_452 = tpu.memref_slice %arg4[%dma_start3A_443, %dma_start3A_450, %dma_start3A_451] : memref<6x128x8192xf32, #tpu.memory_space<vmem>> -> memref<1x128x4096xf32, #tpu.memory_space<vmem>>
      %dma_start3A_453 = tpu.memref_squeeze %dma_start3A_452 : memref<1x128x4096xf32, #tpu.memory_space<vmem>> -> memref<128x4096xf32, #tpu.memory_space<vmem>>
      tpu.enqueue_dma source(%dma_start3A_453 : memref<128x4096xf32, #tpu.memory_space<vmem>>) target(%dma_start3A_449 : memref<128x4096xf32, #tpu.memory_space<any>>) target_semaphore(%dma_start3A_446 : memref<!tpu.dma_semaphore, #tpu.memory_space<semaphore_mem>>)
    } else {
    }
    %eq3A_106 = arith.constant 1 : i32
    %eq3A_107 = arith.cmpi eq, %select_n3A, %eq3A_106 : i32
    %convert_element_type3A_108 = arith.extui %eq3A_107 : i1 to i32
    %cond3A_109 = arith.constant 0 : i32
    %cond3A_110 = arith.cmpi ne, %convert_element_type3A_108, %cond3A_109 : i32
    scf.if %cond3A_110 {
      %dma_start3A_443 = arith.constant 0 : i32
      %dma_start3A_444 = tpu.memref_slice %arg7[%dma_start3A_443] : memref<6x!tpu.dma_semaphore, #tpu.memory_space<semaphore_mem>> -> memref<1x!tpu.dma_semaphore, #tpu.memory_space<semaphore_mem>>
      %dma_start3A_445 = tpu.memref_squeeze %dma_start3A_444 : memref<1x!tpu.dma_semaphore, #tpu.memory_space<semaphore_mem>> -> memref<!tpu.dma_semaphore, #tpu.memory_space<semaphore_mem>>
      %dma_start3A_446 = arith.constant 0 : i32
      %dma_start3A_447 = arith.constant 4096 : i32
      %dma_start3A_448 = tpu.memref_slice %arg3[%dma_start3A_446, %dma_start3A_447] : memref<128x65536xf32, #tpu.memory_space<any>> -> memref<128x4096xf32, #tpu.memory_space<any>>
      tpu.enqueue_dma source(%arg5 : memref<128x4096xf32, #tpu.memory_space<vmem>>) target(%dma_start3A_448 : memref<128x4096xf32, #tpu.memory_space<any>>) target_semaphore(%dma_start3A_445 : memref<!tpu.dma_semaphore, #tpu.memory_space<semaphore_mem>>)
    } else {
    }
    %ne3A_111 = arith.constant 1 : i32
    %ne3A_112 = arith.cmpi ne, %select_n3A, %ne3A_111 : i32
    %convert_element_type3A_113 = arith.extui %ne3A_112 : i1 to i32
    %cond3A_114 = arith.constant 0 : i32
    %cond3A_115 = arith.cmpi ne, %convert_element_type3A_113, %cond3A_114 : i32
    scf.if %cond3A_115 {
      %dma_start3A_443 = arith.constant 0 : i32
      %dma_start3A_444 = arith.constant 0 : i32
      %dma_start3A_445 = tpu.memref_slice %arg7[%dma_start3A_444] : memref<6x!tpu.dma_semaphore, #tpu.memory_space<semaphore_mem>> -> memref<1x!tpu.dma_semaphore, #tpu.memory_space<semaphore_mem>>
      %dma_start3A_446 = tpu.memref_squeeze %dma_start3A_445 : memref<1x!tpu.dma_semaphore, #tpu.memory_space<semaphore_mem>> -> memref<!tpu.dma_semaphore, #tpu.memory_space<semaphore_mem>>
      %dma_start3A_447 = arith.constant 0 : i32
      %dma_start3A_448 = arith.constant 4096 : i32
      %dma_start3A_449 = tpu.memref_slice %arg3[%dma_start3A_447, %dma_start3A_448] : memref<128x65536xf32, #tpu.memory_space<any>> -> memref<128x4096xf32, #tpu.memory_space<any>>
      %dma_start3A_450 = arith.constant 0 : i32
      %dma_start3A_451 = arith.constant 4096 : i32
      %dma_start3A_452 = tpu.memref_slice %arg4[%dma_start3A_443, %dma_start3A_450, %dma_start3A_451] : memref<6x128x8192xf32, #tpu.memory_space<vmem>> -> memref<1x128x4096xf32, #tpu.memory_space<vmem>>
      %dma_start3A_453 = tpu.memref_squeeze %dma_start3A_452 : memref<1x128x4096xf32, #tpu.memory_space<vmem>> -> memref<128x4096xf32, #tpu.memory_space<vmem>>
      tpu.enqueue_dma source(%dma_start3A_453 : memref<128x4096xf32, #tpu.memory_space<vmem>>) target(%dma_start3A_449 : memref<128x4096xf32, #tpu.memory_space<any>>) target_semaphore(%dma_start3A_446 : memref<!tpu.dma_semaphore, #tpu.memory_space<semaphore_mem>>)
    } else {
    }
    %dma_wait3A_116 = arith.constant 0 : i32
    %dma_wait3A_117 = arith.constant 0 : i32
    %dma_wait3A_118 = tpu.memref_slice %arg7[%dma_wait3A_117] : memref<6x!tpu.dma_semaphore, #tpu.memory_space<semaphore_mem>> -> memref<1x!tpu.dma_semaphore, #tpu.memory_space<semaphore_mem>>
    %dma_wait3A_119 = tpu.memref_squeeze %dma_wait3A_118 : memref<1x!tpu.dma_semaphore, #tpu.memory_space<semaphore_mem>> -> memref<!tpu.dma_semaphore, #tpu.memory_space<semaphore_mem>>
    %dma_wait3A_120 = arith.constant 0 : i32
    %dma_wait3A_121 = arith.constant 0 : i32
    %dma_wait3A_122 = tpu.memref_slice %arg3[%dma_wait3A_120, %dma_wait3A_121] : memref<128x65536xf32, #tpu.memory_space<any>> -> memref<128x8192xf32, #tpu.memory_space<any>>
    %dma_wait3A_123 = arith.constant 0 : i32
    %dma_wait3A_124 = arith.constant 0 : i32
    %dma_wait3A_125 = tpu.memref_slice %arg4[%dma_wait3A_116, %dma_wait3A_123, %dma_wait3A_124] : memref<6x128x8192xf32, #tpu.memory_space<vmem>> -> memref<1x128x8192xf32, #tpu.memory_space<vmem>>
    %dma_wait3A_126 = tpu.memref_squeeze %dma_wait3A_125 : memref<1x128x8192xf32, #tpu.memory_space<vmem>> -> memref<128x8192xf32, #tpu.memory_space<vmem>>
    tpu.wait_dma2 semaphore(%dma_wait3A_119 : memref<!tpu.dma_semaphore, #tpu.memory_space<semaphore_mem>>) src(%dma_wait3A_126 : memref<128x8192xf32, #tpu.memory_space<vmem>>) dst(%dma_wait3A_122 : memref<128x8192xf32, #tpu.memory_space<any>>)
    %dma_start3A_127 = arith.constant 0 : i32
    %dma_start3A_128 = arith.constant 0 : i32
    %dma_start3A_129 = tpu.memref_slice %arg6[%dma_start3A_128] : memref<6x!tpu.dma_semaphore, #tpu.memory_space<semaphore_mem>> -> memref<1x!tpu.dma_semaphore, #tpu.memory_space<semaphore_mem>>
    %dma_start3A_130 = tpu.memref_squeeze %dma_start3A_129 : memref<1x!tpu.dma_semaphore, #tpu.memory_space<semaphore_mem>> -> memref<!tpu.dma_semaphore, #tpu.memory_space<semaphore_mem>>
    %dma_start3A_131 = arith.constant 0 : i32
    %dma_start3A_132 = arith.constant 0 : i32
    %dma_start3A_133 = tpu.memref_slice %arg4[%dma_start3A_127, %dma_start3A_131, %dma_start3A_132] : memref<6x128x8192xf32, #tpu.memory_space<vmem>> -> memref<1x128x8192xf32, #tpu.memory_space<vmem>>
    %dma_start3A_134 = tpu.memref_squeeze %dma_start3A_133 : memref<1x128x8192xf32, #tpu.memory_space<vmem>> -> memref<128x8192xf32, #tpu.memory_space<vmem>>
    %dma_start3A_135 = arith.constant 0 : i32
    %dma_start3A_136 = arith.constant 49152 : i32
    %dma_start3A_137 = tpu.memref_slice %arg2[%dma_start3A_135, %dma_start3A_136] : memref<128x65536xf32, #tpu.memory_space<any>> -> memref<128x8192xf32, #tpu.memory_space<any>>
    tpu.enqueue_dma source(%dma_start3A_137 : memref<128x8192xf32, #tpu.memory_space<any>>) target(%dma_start3A_134 : memref<128x8192xf32, #tpu.memory_space<vmem>>) target_semaphore(%dma_start3A_130 : memref<!tpu.dma_semaphore, #tpu.memory_space<semaphore_mem>>)
    %dma_wait3A_138 = arith.constant 1 : i32
    %dma_wait3A_139 = arith.constant 1 : i32
    %dma_wait3A_140 = tpu.memref_slice %arg6[%dma_wait3A_139] : memref<6x!tpu.dma_semaphore, #tpu.memory_space<semaphore_mem>> -> memref<1x!tpu.dma_semaphore, #tpu.memory_space<semaphore_mem>>
    %dma_wait3A_141 = tpu.memref_squeeze %dma_wait3A_140 : memref<1x!tpu.dma_semaphore, #tpu.memory_space<semaphore_mem>> -> memref<!tpu.dma_semaphore, #tpu.memory_space<semaphore_mem>>
    %dma_wait3A_142 = arith.constant 0 : i32
    %dma_wait3A_143 = arith.constant 0 : i32
    %dma_wait3A_144 = tpu.memref_slice %arg4[%dma_wait3A_138, %dma_wait3A_142, %dma_wait3A_143] : memref<6x128x8192xf32, #tpu.memory_space<vmem>> -> memref<1x128x8192xf32, #tpu.memory_space<vmem>>
    %dma_wait3A_145 = tpu.memref_squeeze %dma_wait3A_144 : memref<1x128x8192xf32, #tpu.memory_space<vmem>> -> memref<128x8192xf32, #tpu.memory_space<vmem>>
    %dma_wait3A_146 = arith.constant 0 : i32
    %dma_wait3A_147 = arith.constant 8192 : i32
    %dma_wait3A_148 = tpu.memref_slice %arg2[%dma_wait3A_146, %dma_wait3A_147] : memref<128x65536xf32, #tpu.memory_space<any>> -> memref<128x8192xf32, #tpu.memory_space<any>>
    tpu.wait_dma2 semaphore(%dma_wait3A_141 : memref<!tpu.dma_semaphore, #tpu.memory_space<semaphore_mem>>) src(%dma_wait3A_148 : memref<128x8192xf32, #tpu.memory_space<any>>) dst(%dma_wait3A_145 : memref<128x8192xf32, #tpu.memory_space<vmem>>)
    %eq3A_149 = arith.constant 2 : i32
    %eq3A_150 = arith.cmpi eq, %select_n3A, %eq3A_149 : i32
    %convert_element_type3A_151 = arith.extui %eq3A_150 : i1 to i32
    %cond3A_152 = arith.constant 0 : i32
    %cond3A_153 = arith.cmpi ne, %convert_element_type3A_151, %cond3A_152 : i32
    scf.if %cond3A_153 {
      %dma_start3A_443 = arith.constant 1 : i32
      %dma_start3A_444 = tpu.memref_slice %arg7[%dma_start3A_443] : memref<6x!tpu.dma_semaphore, #tpu.memory_space<semaphore_mem>> -> memref<1x!tpu.dma_semaphore, #tpu.memory_space<semaphore_mem>>
      %dma_start3A_445 = tpu.memref_squeeze %dma_start3A_444 : memref<1x!tpu.dma_semaphore, #tpu.memory_space<semaphore_mem>> -> memref<!tpu.dma_semaphore, #tpu.memory_space<semaphore_mem>>
      %dma_start3A_446 = arith.constant 0 : i32
      %dma_start3A_447 = arith.constant 8192 : i32
      %dma_start3A_448 = tpu.memref_slice %arg3[%dma_start3A_446, %dma_start3A_447] : memref<128x65536xf32, #tpu.memory_space<any>> -> memref<128x4096xf32, #tpu.memory_space<any>>
      tpu.enqueue_dma source(%arg5 : memref<128x4096xf32, #tpu.memory_space<vmem>>) target(%dma_start3A_448 : memref<128x4096xf32, #tpu.memory_space<any>>) target_semaphore(%dma_start3A_445 : memref<!tpu.dma_semaphore, #tpu.memory_space<semaphore_mem>>)
    } else {
    }
    %ne3A_154 = arith.constant 2 : i32
    %ne3A_155 = arith.cmpi ne, %select_n3A, %ne3A_154 : i32
    %convert_element_type3A_156 = arith.extui %ne3A_155 : i1 to i32
    %cond3A_157 = arith.constant 0 : i32
    %cond3A_158 = arith.cmpi ne, %convert_element_type3A_156, %cond3A_157 : i32
    scf.if %cond3A_158 {
      %dma_start3A_443 = arith.constant 1 : i32
      %dma_start3A_444 = arith.constant 1 : i32
      %dma_start3A_445 = tpu.memref_slice %arg7[%dma_start3A_444] : memref<6x!tpu.dma_semaphore, #tpu.memory_space<semaphore_mem>> -> memref<1x!tpu.dma_semaphore, #tpu.memory_space<semaphore_mem>>
      %dma_start3A_446 = tpu.memref_squeeze %dma_start3A_445 : memref<1x!tpu.dma_semaphore, #tpu.memory_space<semaphore_mem>> -> memref<!tpu.dma_semaphore, #tpu.memory_space<semaphore_mem>>
      %dma_start3A_447 = arith.constant 0 : i32
      %dma_start3A_448 = arith.constant 8192 : i32
      %dma_start3A_449 = tpu.memref_slice %arg3[%dma_start3A_447, %dma_start3A_448] : memref<128x65536xf32, #tpu.memory_space<any>> -> memref<128x4096xf32, #tpu.memory_space<any>>
      %dma_start3A_450 = arith.constant 0 : i32
      %dma_start3A_451 = arith.constant 0 : i32
      %dma_start3A_452 = tpu.memref_slice %arg4[%dma_start3A_443, %dma_start3A_450, %dma_start3A_451] : memref<6x128x8192xf32, #tpu.memory_space<vmem>> -> memref<1x128x4096xf32, #tpu.memory_space<vmem>>
      %dma_start3A_453 = tpu.memref_squeeze %dma_start3A_452 : memref<1x128x4096xf32, #tpu.memory_space<vmem>> -> memref<128x4096xf32, #tpu.memory_space<vmem>>
      tpu.enqueue_dma source(%dma_start3A_453 : memref<128x4096xf32, #tpu.memory_space<vmem>>) target(%dma_start3A_449 : memref<128x4096xf32, #tpu.memory_space<any>>) target_semaphore(%dma_start3A_446 : memref<!tpu.dma_semaphore, #tpu.memory_space<semaphore_mem>>)
    } else {
    }
    %eq3A_159 = arith.constant 3 : i32
    %eq3A_160 = arith.cmpi eq, %select_n3A, %eq3A_159 : i32
    %convert_element_type3A_161 = arith.extui %eq3A_160 : i1 to i32
    %cond3A_162 = arith.constant 0 : i32
    %cond3A_163 = arith.cmpi ne, %convert_element_type3A_161, %cond3A_162 : i32
    scf.if %cond3A_163 {
      %dma_start3A_443 = arith.constant 1 : i32
      %dma_start3A_444 = tpu.memref_slice %arg7[%dma_start3A_443] : memref<6x!tpu.dma_semaphore, #tpu.memory_space<semaphore_mem>> -> memref<1x!tpu.dma_semaphore, #tpu.memory_space<semaphore_mem>>
      %dma_start3A_445 = tpu.memref_squeeze %dma_start3A_444 : memref<1x!tpu.dma_semaphore, #tpu.memory_space<semaphore_mem>> -> memref<!tpu.dma_semaphore, #tpu.memory_space<semaphore_mem>>
      %dma_start3A_446 = arith.constant 0 : i32
      %dma_start3A_447 = arith.constant 12288 : i32
      %dma_start3A_448 = tpu.memref_slice %arg3[%dma_start3A_446, %dma_start3A_447] : memref<128x65536xf32, #tpu.memory_space<any>> -> memref<128x4096xf32, #tpu.memory_space<any>>
      tpu.enqueue_dma source(%arg5 : memref<128x4096xf32, #tpu.memory_space<vmem>>) target(%dma_start3A_448 : memref<128x4096xf32, #tpu.memory_space<any>>) target_semaphore(%dma_start3A_445 : memref<!tpu.dma_semaphore, #tpu.memory_space<semaphore_mem>>)
    } else {
    }
    %ne3A_164 = arith.constant 3 : i32
    %ne3A_165 = arith.cmpi ne, %select_n3A, %ne3A_164 : i32
    %convert_element_type3A_166 = arith.extui %ne3A_165 : i1 to i32
    %cond3A_167 = arith.constant 0 : i32
    %cond3A_168 = arith.cmpi ne, %convert_element_type3A_166, %cond3A_167 : i32
    scf.if %cond3A_168 {
      %dma_start3A_443 = arith.constant 1 : i32
      %dma_start3A_444 = arith.constant 1 : i32
      %dma_start3A_445 = tpu.memref_slice %arg7[%dma_start3A_444] : memref<6x!tpu.dma_semaphore, #tpu.memory_space<semaphore_mem>> -> memref<1x!tpu.dma_semaphore, #tpu.memory_space<semaphore_mem>>
      %dma_start3A_446 = tpu.memref_squeeze %dma_start3A_445 : memref<1x!tpu.dma_semaphore, #tpu.memory_space<semaphore_mem>> -> memref<!tpu.dma_semaphore, #tpu.memory_space<semaphore_mem>>
      %dma_start3A_447 = arith.constant 0 : i32
      %dma_start3A_448 = arith.constant 12288 : i32
      %dma_start3A_449 = tpu.memref_slice %arg3[%dma_start3A_447, %dma_start3A_448] : memref<128x65536xf32, #tpu.memory_space<any>> -> memref<128x4096xf32, #tpu.memory_space<any>>
      %dma_start3A_450 = arith.constant 0 : i32
      %dma_start3A_451 = arith.constant 4096 : i32
      %dma_start3A_452 = tpu.memref_slice %arg4[%dma_start3A_443, %dma_start3A_450, %dma_start3A_451] : memref<6x128x8192xf32, #tpu.memory_space<vmem>> -> memref<1x128x4096xf32, #tpu.memory_space<vmem>>
      %dma_start3A_453 = tpu.memref_squeeze %dma_start3A_452 : memref<1x128x4096xf32, #tpu.memory_space<vmem>> -> memref<128x4096xf32, #tpu.memory_space<vmem>>
      tpu.enqueue_dma source(%dma_start3A_453 : memref<128x4096xf32, #tpu.memory_space<vmem>>) target(%dma_start3A_449 : memref<128x4096xf32, #tpu.memory_space<any>>) target_semaphore(%dma_start3A_446 : memref<!tpu.dma_semaphore, #tpu.memory_space<semaphore_mem>>)
    } else {
    }
    %dma_wait3A_169 = arith.constant 1 : i32
    %dma_wait3A_170 = arith.constant 1 : i32
    %dma_wait3A_171 = tpu.memref_slice %arg7[%dma_wait3A_170] : memref<6x!tpu.dma_semaphore, #tpu.memory_space<semaphore_mem>> -> memref<1x!tpu.dma_semaphore, #tpu.memory_space<semaphore_mem>>
    %dma_wait3A_172 = tpu.memref_squeeze %dma_wait3A_171 : memref<1x!tpu.dma_semaphore, #tpu.memory_space<semaphore_mem>> -> memref<!tpu.dma_semaphore, #tpu.memory_space<semaphore_mem>>
    %dma_wait3A_173 = arith.constant 0 : i32
    %dma_wait3A_174 = arith.constant 8192 : i32
    %dma_wait3A_175 = tpu.memref_slice %arg3[%dma_wait3A_173, %dma_wait3A_174] : memref<128x65536xf32, #tpu.memory_space<any>> -> memref<128x8192xf32, #tpu.memory_space<any>>
    %dma_wait3A_176 = arith.constant 0 : i32
    %dma_wait3A_177 = arith.constant 0 : i32
    %dma_wait3A_178 = tpu.memref_slice %arg4[%dma_wait3A_169, %dma_wait3A_176, %dma_wait3A_177] : memref<6x128x8192xf32, #tpu.memory_space<vmem>> -> memref<1x128x8192xf32, #tpu.memory_space<vmem>>
    %dma_wait3A_179 = tpu.memref_squeeze %dma_wait3A_178 : memref<1x128x8192xf32, #tpu.memory_space<vmem>> -> memref<128x8192xf32, #tpu.memory_space<vmem>>
    tpu.wait_dma2 semaphore(%dma_wait3A_172 : memref<!tpu.dma_semaphore, #tpu.memory_space<semaphore_mem>>) src(%dma_wait3A_179 : memref<128x8192xf32, #tpu.memory_space<vmem>>) dst(%dma_wait3A_175 : memref<128x8192xf32, #tpu.memory_space<any>>)
    %dma_start3A_180 = arith.constant 1 : i32
    %dma_start3A_181 = arith.constant 1 : i32
    %dma_start3A_182 = tpu.memref_slice %arg6[%dma_start3A_181] : memref<6x!tpu.dma_semaphore, #tpu.memory_space<semaphore_mem>> -> memref<1x!tpu.dma_semaphore, #tpu.memory_space<semaphore_mem>>
    %dma_start3A_183 = tpu.memref_squeeze %dma_start3A_182 : memref<1x!tpu.dma_semaphore, #tpu.memory_space<semaphore_mem>> -> memref<!tpu.dma_semaphore, #tpu.memory_space<semaphore_mem>>
    %dma_start3A_184 = arith.constant 0 : i32
    %dma_start3A_185 = arith.constant 0 : i32
    %dma_start3A_186 = tpu.memref_slice %arg4[%dma_start3A_180, %dma_start3A_184, %dma_start3A_185] : memref<6x128x8192xf32, #tpu.memory_space<vmem>> -> memref<1x128x8192xf32, #tpu.memory_space<vmem>>
    %dma_start3A_187 = tpu.memref_squeeze %dma_start3A_186 : memref<1x128x8192xf32, #tpu.memory_space<vmem>> -> memref<128x8192xf32, #tpu.memory_space<vmem>>
    %dma_start3A_188 = arith.constant 0 : i32
    %dma_start3A_189 = arith.constant 57344 : i32
    %dma_start3A_190 = tpu.memref_slice %arg2[%dma_start3A_188, %dma_start3A_189] : memref<128x65536xf32, #tpu.memory_space<any>> -> memref<128x8192xf32, #tpu.memory_space<any>>
    tpu.enqueue_dma source(%dma_start3A_190 : memref<128x8192xf32, #tpu.memory_space<any>>) target(%dma_start3A_187 : memref<128x8192xf32, #tpu.memory_space<vmem>>) target_semaphore(%dma_start3A_183 : memref<!tpu.dma_semaphore, #tpu.memory_space<semaphore_mem>>)
    %dma_wait3A_191 = arith.constant 2 : i32
    %dma_wait3A_192 = arith.constant 2 : i32
    %dma_wait3A_193 = tpu.memref_slice %arg6[%dma_wait3A_192] : memref<6x!tpu.dma_semaphore, #tpu.memory_space<semaphore_mem>> -> memref<1x!tpu.dma_semaphore, #tpu.memory_space<semaphore_mem>>
    %dma_wait3A_194 = tpu.memref_squeeze %dma_wait3A_193 : memref<1x!tpu.dma_semaphore, #tpu.memory_space<semaphore_mem>> -> memref<!tpu.dma_semaphore, #tpu.memory_space<semaphore_mem>>
    %dma_wait3A_195 = arith.constant 0 : i32
    %dma_wait3A_196 = arith.constant 0 : i32
    %dma_wait3A_197 = tpu.memref_slice %arg4[%dma_wait3A_191, %dma_wait3A_195, %dma_wait3A_196] : memref<6x128x8192xf32, #tpu.memory_space<vmem>> -> memref<1x128x8192xf32, #tpu.memory_space<vmem>>
    %dma_wait3A_198 = tpu.memref_squeeze %dma_wait3A_197 : memref<1x128x8192xf32, #tpu.memory_space<vmem>> -> memref<128x8192xf32, #tpu.memory_space<vmem>>
    %dma_wait3A_199 = arith.constant 0 : i32
    %dma_wait3A_200 = arith.constant 16384 : i32
    %dma_wait3A_201 = tpu.memref_slice %arg2[%dma_wait3A_199, %dma_wait3A_200] : memref<128x65536xf32, #tpu.memory_space<any>> -> memref<128x8192xf32, #tpu.memory_space<any>>
    tpu.wait_dma2 semaphore(%dma_wait3A_194 : memref<!tpu.dma_semaphore, #tpu.memory_space<semaphore_mem>>) src(%dma_wait3A_201 : memref<128x8192xf32, #tpu.memory_space<any>>) dst(%dma_wait3A_198 : memref<128x8192xf32, #tpu.memory_space<vmem>>)
    %eq3A_202 = arith.constant 4 : i32
    %eq3A_203 = arith.cmpi eq, %select_n3A, %eq3A_202 : i32
    %convert_element_type3A_204 = arith.extui %eq3A_203 : i1 to i32
    %cond3A_205 = arith.constant 0 : i32
    %cond3A_206 = arith.cmpi ne, %convert_element_type3A_204, %cond3A_205 : i32
    scf.if %cond3A_206 {
      %dma_start3A_443 = arith.constant 2 : i32
      %dma_start3A_444 = tpu.memref_slice %arg7[%dma_start3A_443] : memref<6x!tpu.dma_semaphore, #tpu.memory_space<semaphore_mem>> -> memref<1x!tpu.dma_semaphore, #tpu.memory_space<semaphore_mem>>
      %dma_start3A_445 = tpu.memref_squeeze %dma_start3A_444 : memref<1x!tpu.dma_semaphore, #tpu.memory_space<semaphore_mem>> -> memref<!tpu.dma_semaphore, #tpu.memory_space<semaphore_mem>>
      %dma_start3A_446 = arith.constant 0 : i32
      %dma_start3A_447 = arith.constant 16384 : i32
      %dma_start3A_448 = tpu.memref_slice %arg3[%dma_start3A_446, %dma_start3A_447] : memref<128x65536xf32, #tpu.memory_space<any>> -> memref<128x4096xf32, #tpu.memory_space<any>>
      tpu.enqueue_dma source(%arg5 : memref<128x4096xf32, #tpu.memory_space<vmem>>) target(%dma_start3A_448 : memref<128x4096xf32, #tpu.memory_space<any>>) target_semaphore(%dma_start3A_445 : memref<!tpu.dma_semaphore, #tpu.memory_space<semaphore_mem>>)
    } else {
    }
    %ne3A_207 = arith.constant 4 : i32
    %ne3A_208 = arith.cmpi ne, %select_n3A, %ne3A_207 : i32
    %convert_element_type3A_209 = arith.extui %ne3A_208 : i1 to i32
    %cond3A_210 = arith.constant 0 : i32
    %cond3A_211 = arith.cmpi ne, %convert_element_type3A_209, %cond3A_210 : i32
    scf.if %cond3A_211 {
      %dma_start3A_443 = arith.constant 2 : i32
      %dma_start3A_444 = arith.constant 2 : i32
      %dma_start3A_445 = tpu.memref_slice %arg7[%dma_start3A_444] : memref<6x!tpu.dma_semaphore, #tpu.memory_space<semaphore_mem>> -> memref<1x!tpu.dma_semaphore, #tpu.memory_space<semaphore_mem>>
      %dma_start3A_446 = tpu.memref_squeeze %dma_start3A_445 : memref<1x!tpu.dma_semaphore, #tpu.memory_space<semaphore_mem>> -> memref<!tpu.dma_semaphore, #tpu.memory_space<semaphore_mem>>
      %dma_start3A_447 = arith.constant 0 : i32
      %dma_start3A_448 = arith.constant 16384 : i32
      %dma_start3A_449 = tpu.memref_slice %arg3[%dma_start3A_447, %dma_start3A_448] : memref<128x65536xf32, #tpu.memory_space<any>> -> memref<128x4096xf32, #tpu.memory_space<any>>
      %dma_start3A_450 = arith.constant 0 : i32
      %dma_start3A_451 = arith.constant 0 : i32
      %dma_start3A_452 = tpu.memref_slice %arg4[%dma_start3A_443, %dma_start3A_450, %dma_start3A_451] : memref<6x128x8192xf32, #tpu.memory_space<vmem>> -> memref<1x128x4096xf32, #tpu.memory_space<vmem>>
      %dma_start3A_453 = tpu.memref_squeeze %dma_start3A_452 : memref<1x128x4096xf32, #tpu.memory_space<vmem>> -> memref<128x4096xf32, #tpu.memory_space<vmem>>
      tpu.enqueue_dma source(%dma_start3A_453 : memref<128x4096xf32, #tpu.memory_space<vmem>>) target(%dma_start3A_449 : memref<128x4096xf32, #tpu.memory_space<any>>) target_semaphore(%dma_start3A_446 : memref<!tpu.dma_semaphore, #tpu.memory_space<semaphore_mem>>)
    } else {
    }
    %eq3A_212 = arith.constant 5 : i32
    %eq3A_213 = arith.cmpi eq, %select_n3A, %eq3A_212 : i32
    %convert_element_type3A_214 = arith.extui %eq3A_213 : i1 to i32
    %cond3A_215 = arith.constant 0 : i32
    %cond3A_216 = arith.cmpi ne, %convert_element_type3A_214, %cond3A_215 : i32
    scf.if %cond3A_216 {
      %dma_start3A_443 = arith.constant 2 : i32
      %dma_start3A_444 = tpu.memref_slice %arg7[%dma_start3A_443] : memref<6x!tpu.dma_semaphore, #tpu.memory_space<semaphore_mem>> -> memref<1x!tpu.dma_semaphore, #tpu.memory_space<semaphore_mem>>
      %dma_start3A_445 = tpu.memref_squeeze %dma_start3A_444 : memref<1x!tpu.dma_semaphore, #tpu.memory_space<semaphore_mem>> -> memref<!tpu.dma_semaphore, #tpu.memory_space<semaphore_mem>>
      %dma_start3A_446 = arith.constant 0 : i32
      %dma_start3A_447 = arith.constant 20480 : i32
      %dma_start3A_448 = tpu.memref_slice %arg3[%dma_start3A_446, %dma_start3A_447] : memref<128x65536xf32, #tpu.memory_space<any>> -> memref<128x4096xf32, #tpu.memory_space<any>>
      tpu.enqueue_dma source(%arg5 : memref<128x4096xf32, #tpu.memory_space<vmem>>) target(%dma_start3A_448 : memref<128x4096xf32, #tpu.memory_space<any>>) target_semaphore(%dma_start3A_445 : memref<!tpu.dma_semaphore, #tpu.memory_space<semaphore_mem>>)
    } else {
    }
    %ne3A_217 = arith.constant 5 : i32
    %ne3A_218 = arith.cmpi ne, %select_n3A, %ne3A_217 : i32
    %convert_element_type3A_219 = arith.extui %ne3A_218 : i1 to i32
    %cond3A_220 = arith.constant 0 : i32
    %cond3A_221 = arith.cmpi ne, %convert_element_type3A_219, %cond3A_220 : i32
    scf.if %cond3A_221 {
      %dma_start3A_443 = arith.constant 2 : i32
      %dma_start3A_444 = arith.constant 2 : i32
      %dma_start3A_445 = tpu.memref_slice %arg7[%dma_start3A_444] : memref<6x!tpu.dma_semaphore, #tpu.memory_space<semaphore_mem>> -> memref<1x!tpu.dma_semaphore, #tpu.memory_space<semaphore_mem>>
      %dma_start3A_446 = tpu.memref_squeeze %dma_start3A_445 : memref<1x!tpu.dma_semaphore, #tpu.memory_space<semaphore_mem>> -> memref<!tpu.dma_semaphore, #tpu.memory_space<semaphore_mem>>
      %dma_start3A_447 = arith.constant 0 : i32
      %dma_start3A_448 = arith.constant 20480 : i32
      %dma_start3A_449 = tpu.memref_slice %arg3[%dma_start3A_447, %dma_start3A_448] : memref<128x65536xf32, #tpu.memory_space<any>> -> memref<128x4096xf32, #tpu.memory_space<any>>
      %dma_start3A_450 = arith.constant 0 : i32
      %dma_start3A_451 = arith.constant 4096 : i32
      %dma_start3A_452 = tpu.memref_slice %arg4[%dma_start3A_443, %dma_start3A_450, %dma_start3A_451] : memref<6x128x8192xf32, #tpu.memory_space<vmem>> -> memref<1x128x4096xf32, #tpu.memory_space<vmem>>
      %dma_start3A_453 = tpu.memref_squeeze %dma_start3A_452 : memref<1x128x4096xf32, #tpu.memory_space<vmem>> -> memref<128x4096xf32, #tpu.memory_space<vmem>>
      tpu.enqueue_dma source(%dma_start3A_453 : memref<128x4096xf32, #tpu.memory_space<vmem>>) target(%dma_start3A_449 : memref<128x4096xf32, #tpu.memory_space<any>>) target_semaphore(%dma_start3A_446 : memref<!tpu.dma_semaphore, #tpu.memory_space<semaphore_mem>>)
    } else {
    }
    %dma_wait3A_222 = arith.constant 3 : i32
    %dma_wait3A_223 = arith.constant 3 : i32
    %dma_wait3A_224 = tpu.memref_slice %arg6[%dma_wait3A_223] : memref<6x!tpu.dma_semaphore, #tpu.memory_space<semaphore_mem>> -> memref<1x!tpu.dma_semaphore, #tpu.memory_space<semaphore_mem>>
    %dma_wait3A_225 = tpu.memref_squeeze %dma_wait3A_224 : memref<1x!tpu.dma_semaphore, #tpu.memory_space<semaphore_mem>> -> memref<!tpu.dma_semaphore, #tpu.memory_space<semaphore_mem>>
    %dma_wait3A_226 = arith.constant 0 : i32
    %dma_wait3A_227 = arith.constant 0 : i32
    %dma_wait3A_228 = tpu.memref_slice %arg4[%dma_wait3A_222, %dma_wait3A_226, %dma_wait3A_227] : memref<6x128x8192xf32, #tpu.memory_space<vmem>> -> memref<1x128x8192xf32, #tpu.memory_space<vmem>>
    %dma_wait3A_229 = tpu.memref_squeeze %dma_wait3A_228 : memref<1x128x8192xf32, #tpu.memory_space<vmem>> -> memref<128x8192xf32, #tpu.memory_space<vmem>>
    %dma_wait3A_230 = arith.constant 0 : i32
    %dma_wait3A_231 = arith.constant 24576 : i32
    %dma_wait3A_232 = tpu.memref_slice %arg2[%dma_wait3A_230, %dma_wait3A_231] : memref<128x65536xf32, #tpu.memory_space<any>> -> memref<128x8192xf32, #tpu.memory_space<any>>
    tpu.wait_dma2 semaphore(%dma_wait3A_225 : memref<!tpu.dma_semaphore, #tpu.memory_space<semaphore_mem>>) src(%dma_wait3A_232 : memref<128x8192xf32, #tpu.memory_space<any>>) dst(%dma_wait3A_229 : memref<128x8192xf32, #tpu.memory_space<vmem>>)
    %eq3A_233 = arith.constant 6 : i32
    %eq3A_234 = arith.cmpi eq, %select_n3A, %eq3A_233 : i32
    %convert_element_type3A_235 = arith.extui %eq3A_234 : i1 to i32
    %cond3A_236 = arith.constant 0 : i32
    %cond3A_237 = arith.cmpi ne, %convert_element_type3A_235, %cond3A_236 : i32
    scf.if %cond3A_237 {
      %dma_start3A_443 = arith.constant 3 : i32
      %dma_start3A_444 = tpu.memref_slice %arg7[%dma_start3A_443] : memref<6x!tpu.dma_semaphore, #tpu.memory_space<semaphore_mem>> -> memref<1x!tpu.dma_semaphore, #tpu.memory_space<semaphore_mem>>
      %dma_start3A_445 = tpu.memref_squeeze %dma_start3A_444 : memref<1x!tpu.dma_semaphore, #tpu.memory_space<semaphore_mem>> -> memref<!tpu.dma_semaphore, #tpu.memory_space<semaphore_mem>>
      %dma_start3A_446 = arith.constant 0 : i32
      %dma_start3A_447 = arith.constant 24576 : i32
      %dma_start3A_448 = tpu.memref_slice %arg3[%dma_start3A_446, %dma_start3A_447] : memref<128x65536xf32, #tpu.memory_space<any>> -> memref<128x4096xf32, #tpu.memory_space<any>>
      tpu.enqueue_dma source(%arg5 : memref<128x4096xf32, #tpu.memory_space<vmem>>) target(%dma_start3A_448 : memref<128x4096xf32, #tpu.memory_space<any>>) target_semaphore(%dma_start3A_445 : memref<!tpu.dma_semaphore, #tpu.memory_space<semaphore_mem>>)
    } else {
    }
    %ne3A_238 = arith.constant 6 : i32
    %ne3A_239 = arith.cmpi ne, %select_n3A, %ne3A_238 : i32
    %convert_element_type3A_240 = arith.extui %ne3A_239 : i1 to i32
    %cond3A_241 = arith.constant 0 : i32
    %cond3A_242 = arith.cmpi ne, %convert_element_type3A_240, %cond3A_241 : i32
    scf.if %cond3A_242 {
      %dma_start3A_443 = arith.constant 3 : i32
      %dma_start3A_444 = arith.constant 3 : i32
      %dma_start3A_445 = tpu.memref_slice %arg7[%dma_start3A_444] : memref<6x!tpu.dma_semaphore, #tpu.memory_space<semaphore_mem>> -> memref<1x!tpu.dma_semaphore, #tpu.memory_space<semaphore_mem>>
      %dma_start3A_446 = tpu.memref_squeeze %dma_start3A_445 : memref<1x!tpu.dma_semaphore, #tpu.memory_space<semaphore_mem>> -> memref<!tpu.dma_semaphore, #tpu.memory_space<semaphore_mem>>
      %dma_start3A_447 = arith.constant 0 : i32
      %dma_start3A_448 = arith.constant 24576 : i32
      %dma_start3A_449 = tpu.memref_slice %arg3[%dma_start3A_447, %dma_start3A_448] : memref<128x65536xf32, #tpu.memory_space<any>> -> memref<128x4096xf32, #tpu.memory_space<any>>
      %dma_start3A_450 = arith.constant 0 : i32
      %dma_start3A_451 = arith.constant 0 : i32
      %dma_start3A_452 = tpu.memref_slice %arg4[%dma_start3A_443, %dma_start3A_450, %dma_start3A_451] : memref<6x128x8192xf32, #tpu.memory_space<vmem>> -> memref<1x128x4096xf32, #tpu.memory_space<vmem>>
      %dma_start3A_453 = tpu.memref_squeeze %dma_start3A_452 : memref<1x128x4096xf32, #tpu.memory_space<vmem>> -> memref<128x4096xf32, #tpu.memory_space<vmem>>
      tpu.enqueue_dma source(%dma_start3A_453 : memref<128x4096xf32, #tpu.memory_space<vmem>>) target(%dma_start3A_449 : memref<128x4096xf32, #tpu.memory_space<any>>) target_semaphore(%dma_start3A_446 : memref<!tpu.dma_semaphore, #tpu.memory_space<semaphore_mem>>)
    } else {
    }
    %eq3A_243 = arith.constant 7 : i32
    %eq3A_244 = arith.cmpi eq, %select_n3A, %eq3A_243 : i32
    %convert_element_type3A_245 = arith.extui %eq3A_244 : i1 to i32
    %cond3A_246 = arith.constant 0 : i32
    %cond3A_247 = arith.cmpi ne, %convert_element_type3A_245, %cond3A_246 : i32
    scf.if %cond3A_247 {
      %dma_start3A_443 = arith.constant 3 : i32
      %dma_start3A_444 = tpu.memref_slice %arg7[%dma_start3A_443] : memref<6x!tpu.dma_semaphore, #tpu.memory_space<semaphore_mem>> -> memref<1x!tpu.dma_semaphore, #tpu.memory_space<semaphore_mem>>
      %dma_start3A_445 = tpu.memref_squeeze %dma_start3A_444 : memref<1x!tpu.dma_semaphore, #tpu.memory_space<semaphore_mem>> -> memref<!tpu.dma_semaphore, #tpu.memory_space<semaphore_mem>>
      %dma_start3A_446 = arith.constant 0 : i32
      %dma_start3A_447 = arith.constant 28672 : i32
      %dma_start3A_448 = tpu.memref_slice %arg3[%dma_start3A_446, %dma_start3A_447] : memref<128x65536xf32, #tpu.memory_space<any>> -> memref<128x4096xf32, #tpu.memory_space<any>>
      tpu.enqueue_dma source(%arg5 : memref<128x4096xf32, #tpu.memory_space<vmem>>) target(%dma_start3A_448 : memref<128x4096xf32, #tpu.memory_space<any>>) target_semaphore(%dma_start3A_445 : memref<!tpu.dma_semaphore, #tpu.memory_space<semaphore_mem>>)
    } else {
    }
    %ne3A_248 = arith.constant 7 : i32
    %ne3A_249 = arith.cmpi ne, %select_n3A, %ne3A_248 : i32
    %convert_element_type3A_250 = arith.extui %ne3A_249 : i1 to i32
    %cond3A_251 = arith.constant 0 : i32
    %cond3A_252 = arith.cmpi ne, %convert_element_type3A_250, %cond3A_251 : i32
    scf.if %cond3A_252 {
      %dma_start3A_443 = arith.constant 3 : i32
      %dma_start3A_444 = arith.constant 3 : i32
      %dma_start3A_445 = tpu.memref_slice %arg7[%dma_start3A_444] : memref<6x!tpu.dma_semaphore, #tpu.memory_space<semaphore_mem>> -> memref<1x!tpu.dma_semaphore, #tpu.memory_space<semaphore_mem>>
      %dma_start3A_446 = tpu.memref_squeeze %dma_start3A_445 : memref<1x!tpu.dma_semaphore, #tpu.memory_space<semaphore_mem>> -> memref<!tpu.dma_semaphore, #tpu.memory_space<semaphore_mem>>
      %dma_start3A_447 = arith.constant 0 : i32
      %dma_start3A_448 = arith.constant 28672 : i32
      %dma_start3A_449 = tpu.memref_slice %arg3[%dma_start3A_447, %dma_start3A_448] : memref<128x65536xf32, #tpu.memory_space<any>> -> memref<128x4096xf32, #tpu.memory_space<any>>
      %dma_start3A_450 = arith.constant 0 : i32
      %dma_start3A_451 = arith.constant 4096 : i32
      %dma_start3A_452 = tpu.memref_slice %arg4[%dma_start3A_443, %dma_start3A_450, %dma_start3A_451] : memref<6x128x8192xf32, #tpu.memory_space<vmem>> -> memref<1x128x4096xf32, #tpu.memory_space<vmem>>
      %dma_start3A_453 = tpu.memref_squeeze %dma_start3A_452 : memref<1x128x4096xf32, #tpu.memory_space<vmem>> -> memref<128x4096xf32, #tpu.memory_space<vmem>>
      tpu.enqueue_dma source(%dma_start3A_453 : memref<128x4096xf32, #tpu.memory_space<vmem>>) target(%dma_start3A_449 : memref<128x4096xf32, #tpu.memory_space<any>>) target_semaphore(%dma_start3A_446 : memref<!tpu.dma_semaphore, #tpu.memory_space<semaphore_mem>>)
    } else {
    }
    %dma_wait3A_253 = arith.constant 4 : i32
    %dma_wait3A_254 = arith.constant 4 : i32
    %dma_wait3A_255 = tpu.memref_slice %arg6[%dma_wait3A_254] : memref<6x!tpu.dma_semaphore, #tpu.memory_space<semaphore_mem>> -> memref<1x!tpu.dma_semaphore, #tpu.memory_space<semaphore_mem>>
    %dma_wait3A_256 = tpu.memref_squeeze %dma_wait3A_255 : memref<1x!tpu.dma_semaphore, #tpu.memory_space<semaphore_mem>> -> memref<!tpu.dma_semaphore, #tpu.memory_space<semaphore_mem>>
    %dma_wait3A_257 = arith.constant 0 : i32
    %dma_wait3A_258 = arith.constant 0 : i32
    %dma_wait3A_259 = tpu.memref_slice %arg4[%dma_wait3A_253, %dma_wait3A_257, %dma_wait3A_258] : memref<6x128x8192xf32, #tpu.memory_space<vmem>> -> memref<1x128x8192xf32, #tpu.memory_space<vmem>>
    %dma_wait3A_260 = tpu.memref_squeeze %dma_wait3A_259 : memref<1x128x8192xf32, #tpu.memory_space<vmem>> -> memref<128x8192xf32, #tpu.memory_space<vmem>>
    %dma_wait3A_261 = arith.constant 0 : i32
    %dma_wait3A_262 = arith.constant 32768 : i32
    %dma_wait3A_263 = tpu.memref_slice %arg2[%dma_wait3A_261, %dma_wait3A_262] : memref<128x65536xf32, #tpu.memory_space<any>> -> memref<128x8192xf32, #tpu.memory_space<any>>
    tpu.wait_dma2 semaphore(%dma_wait3A_256 : memref<!tpu.dma_semaphore, #tpu.memory_space<semaphore_mem>>) src(%dma_wait3A_263 : memref<128x8192xf32, #tpu.memory_space<any>>) dst(%dma_wait3A_260 : memref<128x8192xf32, #tpu.memory_space<vmem>>)
    %eq3A_264 = arith.constant 8 : i32
    %eq3A_265 = arith.cmpi eq, %select_n3A, %eq3A_264 : i32
    %convert_element_type3A_266 = arith.extui %eq3A_265 : i1 to i32
    %cond3A_267 = arith.constant 0 : i32
    %cond3A_268 = arith.cmpi ne, %convert_element_type3A_266, %cond3A_267 : i32
    scf.if %cond3A_268 {
      %dma_start3A_443 = arith.constant 4 : i32
      %dma_start3A_444 = tpu.memref_slice %arg7[%dma_start3A_443] : memref<6x!tpu.dma_semaphore, #tpu.memory_space<semaphore_mem>> -> memref<1x!tpu.dma_semaphore, #tpu.memory_space<semaphore_mem>>
      %dma_start3A_445 = tpu.memref_squeeze %dma_start3A_444 : memref<1x!tpu.dma_semaphore, #tpu.memory_space<semaphore_mem>> -> memref<!tpu.dma_semaphore, #tpu.memory_space<semaphore_mem>>
      %dma_start3A_446 = arith.constant 0 : i32
      %dma_start3A_447 = arith.constant 32768 : i32
      %dma_start3A_448 = tpu.memref_slice %arg3[%dma_start3A_446, %dma_start3A_447] : memref<128x65536xf32, #tpu.memory_space<any>> -> memref<128x4096xf32, #tpu.memory_space<any>>
      tpu.enqueue_dma source(%arg5 : memref<128x4096xf32, #tpu.memory_space<vmem>>) target(%dma_start3A_448 : memref<128x4096xf32, #tpu.memory_space<any>>) target_semaphore(%dma_start3A_445 : memref<!tpu.dma_semaphore, #tpu.memory_space<semaphore_mem>>)
    } else {
    }
    %ne3A_269 = arith.constant 8 : i32
    %ne3A_270 = arith.cmpi ne, %select_n3A, %ne3A_269 : i32
    %convert_element_type3A_271 = arith.extui %ne3A_270 : i1 to i32
    %cond3A_272 = arith.constant 0 : i32
    %cond3A_273 = arith.cmpi ne, %convert_element_type3A_271, %cond3A_272 : i32
    scf.if %cond3A_273 {
      %dma_start3A_443 = arith.constant 4 : i32
      %dma_start3A_444 = arith.constant 4 : i32
      %dma_start3A_445 = tpu.memref_slice %arg7[%dma_start3A_444] : memref<6x!tpu.dma_semaphore, #tpu.memory_space<semaphore_mem>> -> memref<1x!tpu.dma_semaphore, #tpu.memory_space<semaphore_mem>>
      %dma_start3A_446 = tpu.memref_squeeze %dma_start3A_445 : memref<1x!tpu.dma_semaphore, #tpu.memory_space<semaphore_mem>> -> memref<!tpu.dma_semaphore, #tpu.memory_space<semaphore_mem>>
      %dma_start3A_447 = arith.constant 0 : i32
      %dma_start3A_448 = arith.constant 32768 : i32
      %dma_start3A_449 = tpu.memref_slice %arg3[%dma_start3A_447, %dma_start3A_448] : memref<128x65536xf32, #tpu.memory_space<any>> -> memref<128x4096xf32, #tpu.memory_space<any>>
      %dma_start3A_450 = arith.constant 0 : i32
      %dma_start3A_451 = arith.constant 0 : i32
      %dma_start3A_452 = tpu.memref_slice %arg4[%dma_start3A_443, %dma_start3A_450, %dma_start3A_451] : memref<6x128x8192xf32, #tpu.memory_space<vmem>> -> memref<1x128x4096xf32, #tpu.memory_space<vmem>>
      %dma_start3A_453 = tpu.memref_squeeze %dma_start3A_452 : memref<1x128x4096xf32, #tpu.memory_space<vmem>> -> memref<128x4096xf32, #tpu.memory_space<vmem>>
      tpu.enqueue_dma source(%dma_start3A_453 : memref<128x4096xf32, #tpu.memory_space<vmem>>) target(%dma_start3A_449 : memref<128x4096xf32, #tpu.memory_space<any>>) target_semaphore(%dma_start3A_446 : memref<!tpu.dma_semaphore, #tpu.memory_space<semaphore_mem>>)
    } else {
    }
    %eq3A_274 = arith.constant 9 : i32
    %eq3A_275 = arith.cmpi eq, %select_n3A, %eq3A_274 : i32
    %convert_element_type3A_276 = arith.extui %eq3A_275 : i1 to i32
    %cond3A_277 = arith.constant 0 : i32
    %cond3A_278 = arith.cmpi ne, %convert_element_type3A_276, %cond3A_277 : i32
    scf.if %cond3A_278 {
      %dma_start3A_443 = arith.constant 4 : i32
      %dma_start3A_444 = tpu.memref_slice %arg7[%dma_start3A_443] : memref<6x!tpu.dma_semaphore, #tpu.memory_space<semaphore_mem>> -> memref<1x!tpu.dma_semaphore, #tpu.memory_space<semaphore_mem>>
      %dma_start3A_445 = tpu.memref_squeeze %dma_start3A_444 : memref<1x!tpu.dma_semaphore, #tpu.memory_space<semaphore_mem>> -> memref<!tpu.dma_semaphore, #tpu.memory_space<semaphore_mem>>
      %dma_start3A_446 = arith.constant 0 : i32
      %dma_start3A_447 = arith.constant 36864 : i32
      %dma_start3A_448 = tpu.memref_slice %arg3[%dma_start3A_446, %dma_start3A_447] : memref<128x65536xf32, #tpu.memory_space<any>> -> memref<128x4096xf32, #tpu.memory_space<any>>
      tpu.enqueue_dma source(%arg5 : memref<128x4096xf32, #tpu.memory_space<vmem>>) target(%dma_start3A_448 : memref<128x4096xf32, #tpu.memory_space<any>>) target_semaphore(%dma_start3A_445 : memref<!tpu.dma_semaphore, #tpu.memory_space<semaphore_mem>>)
    } else {
    }
    %ne3A_279 = arith.constant 9 : i32
    %ne3A_280 = arith.cmpi ne, %select_n3A, %ne3A_279 : i32
    %convert_element_type3A_281 = arith.extui %ne3A_280 : i1 to i32
    %cond3A_282 = arith.constant 0 : i32
    %cond3A_283 = arith.cmpi ne, %convert_element_type3A_281, %cond3A_282 : i32
    scf.if %cond3A_283 {
      %dma_start3A_443 = arith.constant 4 : i32
      %dma_start3A_444 = arith.constant 4 : i32
      %dma_start3A_445 = tpu.memref_slice %arg7[%dma_start3A_444] : memref<6x!tpu.dma_semaphore, #tpu.memory_space<semaphore_mem>> -> memref<1x!tpu.dma_semaphore, #tpu.memory_space<semaphore_mem>>
      %dma_start3A_446 = tpu.memref_squeeze %dma_start3A_445 : memref<1x!tpu.dma_semaphore, #tpu.memory_space<semaphore_mem>> -> memref<!tpu.dma_semaphore, #tpu.memory_space<semaphore_mem>>
      %dma_start3A_447 = arith.constant 0 : i32
      %dma_start3A_448 = arith.constant 36864 : i32
      %dma_start3A_449 = tpu.memref_slice %arg3[%dma_start3A_447, %dma_start3A_448] : memref<128x65536xf32, #tpu.memory_space<any>> -> memref<128x4096xf32, #tpu.memory_space<any>>
      %dma_start3A_450 = arith.constant 0 : i32
      %dma_start3A_451 = arith.constant 4096 : i32
      %dma_start3A_452 = tpu.memref_slice %arg4[%dma_start3A_443, %dma_start3A_450, %dma_start3A_451] : memref<6x128x8192xf32, #tpu.memory_space<vmem>> -> memref<1x128x4096xf32, #tpu.memory_space<vmem>>
      %dma_start3A_453 = tpu.memref_squeeze %dma_start3A_452 : memref<1x128x4096xf32, #tpu.memory_space<vmem>> -> memref<128x4096xf32, #tpu.memory_space<vmem>>
      tpu.enqueue_dma source(%dma_start3A_453 : memref<128x4096xf32, #tpu.memory_space<vmem>>) target(%dma_start3A_449 : memref<128x4096xf32, #tpu.memory_space<any>>) target_semaphore(%dma_start3A_446 : memref<!tpu.dma_semaphore, #tpu.memory_space<semaphore_mem>>)
    } else {
    }
    %dma_wait3A_284 = arith.constant 5 : i32
    %dma_wait3A_285 = arith.constant 5 : i32
    %dma_wait3A_286 = tpu.memref_slice %arg6[%dma_wait3A_285] : memref<6x!tpu.dma_semaphore, #tpu.memory_space<semaphore_mem>> -> memref<1x!tpu.dma_semaphore, #tpu.memory_space<semaphore_mem>>
    %dma_wait3A_287 = tpu.memref_squeeze %dma_wait3A_286 : memref<1x!tpu.dma_semaphore, #tpu.memory_space<semaphore_mem>> -> memref<!tpu.dma_semaphore, #tpu.memory_space<semaphore_mem>>
    %dma_wait3A_288 = arith.constant 0 : i32
    %dma_wait3A_289 = arith.constant 0 : i32
    %dma_wait3A_290 = tpu.memref_slice %arg4[%dma_wait3A_284, %dma_wait3A_288, %dma_wait3A_289] : memref<6x128x8192xf32, #tpu.memory_space<vmem>> -> memref<1x128x8192xf32, #tpu.memory_space<vmem>>
    %dma_wait3A_291 = tpu.memref_squeeze %dma_wait3A_290 : memref<1x128x8192xf32, #tpu.memory_space<vmem>> -> memref<128x8192xf32, #tpu.memory_space<vmem>>
    %dma_wait3A_292 = arith.constant 0 : i32
    %dma_wait3A_293 = arith.constant 40960 : i32
    %dma_wait3A_294 = tpu.memref_slice %arg2[%dma_wait3A_292, %dma_wait3A_293] : memref<128x65536xf32, #tpu.memory_space<any>> -> memref<128x8192xf32, #tpu.memory_space<any>>
    tpu.wait_dma2 semaphore(%dma_wait3A_287 : memref<!tpu.dma_semaphore, #tpu.memory_space<semaphore_mem>>) src(%dma_wait3A_294 : memref<128x8192xf32, #tpu.memory_space<any>>) dst(%dma_wait3A_291 : memref<128x8192xf32, #tpu.memory_space<vmem>>)
    %eq3A_295 = arith.constant 10 : i32
    %eq3A_296 = arith.cmpi eq, %select_n3A, %eq3A_295 : i32
    %convert_element_type3A_297 = arith.extui %eq3A_296 : i1 to i32
    %cond3A_298 = arith.constant 0 : i32
    %cond3A_299 = arith.cmpi ne, %convert_element_type3A_297, %cond3A_298 : i32
    scf.if %cond3A_299 {
      %dma_start3A_443 = arith.constant 5 : i32
      %dma_start3A_444 = tpu.memref_slice %arg7[%dma_start3A_443] : memref<6x!tpu.dma_semaphore, #tpu.memory_space<semaphore_mem>> -> memref<1x!tpu.dma_semaphore, #tpu.memory_space<semaphore_mem>>
      %dma_start3A_445 = tpu.memref_squeeze %dma_start3A_444 : memref<1x!tpu.dma_semaphore, #tpu.memory_space<semaphore_mem>> -> memref<!tpu.dma_semaphore, #tpu.memory_space<semaphore_mem>>
      %dma_start3A_446 = arith.constant 0 : i32
      %dma_start3A_447 = arith.constant 40960 : i32
      %dma_start3A_448 = tpu.memref_slice %arg3[%dma_start3A_446, %dma_start3A_447] : memref<128x65536xf32, #tpu.memory_space<any>> -> memref<128x4096xf32, #tpu.memory_space<any>>
      tpu.enqueue_dma source(%arg5 : memref<128x4096xf32, #tpu.memory_space<vmem>>) target(%dma_start3A_448 : memref<128x4096xf32, #tpu.memory_space<any>>) target_semaphore(%dma_start3A_445 : memref<!tpu.dma_semaphore, #tpu.memory_space<semaphore_mem>>)
    } else {
    }
    %ne3A_300 = arith.constant 10 : i32
    %ne3A_301 = arith.cmpi ne, %select_n3A, %ne3A_300 : i32
    %convert_element_type3A_302 = arith.extui %ne3A_301 : i1 to i32
    %cond3A_303 = arith.constant 0 : i32
    %cond3A_304 = arith.cmpi ne, %convert_element_type3A_302, %cond3A_303 : i32
    scf.if %cond3A_304 {
      %dma_start3A_443 = arith.constant 5 : i32
      %dma_start3A_444 = arith.constant 5 : i32
      %dma_start3A_445 = tpu.memref_slice %arg7[%dma_start3A_444] : memref<6x!tpu.dma_semaphore, #tpu.memory_space<semaphore_mem>> -> memref<1x!tpu.dma_semaphore, #tpu.memory_space<semaphore_mem>>
      %dma_start3A_446 = tpu.memref_squeeze %dma_start3A_445 : memref<1x!tpu.dma_semaphore, #tpu.memory_space<semaphore_mem>> -> memref<!tpu.dma_semaphore, #tpu.memory_space<semaphore_mem>>
      %dma_start3A_447 = arith.constant 0 : i32
      %dma_start3A_448 = arith.constant 40960 : i32
      %dma_start3A_449 = tpu.memref_slice %arg3[%dma_start3A_447, %dma_start3A_448] : memref<128x65536xf32, #tpu.memory_space<any>> -> memref<128x4096xf32, #tpu.memory_space<any>>
      %dma_start3A_450 = arith.constant 0 : i32
      %dma_start3A_451 = arith.constant 0 : i32
      %dma_start3A_452 = tpu.memref_slice %arg4[%dma_start3A_443, %dma_start3A_450, %dma_start3A_451] : memref<6x128x8192xf32, #tpu.memory_space<vmem>> -> memref<1x128x4096xf32, #tpu.memory_space<vmem>>
      %dma_start3A_453 = tpu.memref_squeeze %dma_start3A_452 : memref<1x128x4096xf32, #tpu.memory_space<vmem>> -> memref<128x4096xf32, #tpu.memory_space<vmem>>
      tpu.enqueue_dma source(%dma_start3A_453 : memref<128x4096xf32, #tpu.memory_space<vmem>>) target(%dma_start3A_449 : memref<128x4096xf32, #tpu.memory_space<any>>) target_semaphore(%dma_start3A_446 : memref<!tpu.dma_semaphore, #tpu.memory_space<semaphore_mem>>)
    } else {
    }
    %eq3A_305 = arith.constant 11 : i32
    %eq3A_306 = arith.cmpi eq, %select_n3A, %eq3A_305 : i32
    %convert_element_type3A_307 = arith.extui %eq3A_306 : i1 to i32
    %cond3A_308 = arith.constant 0 : i32
    %cond3A_309 = arith.cmpi ne, %convert_element_type3A_307, %cond3A_308 : i32
    scf.if %cond3A_309 {
      %dma_start3A_443 = arith.constant 5 : i32
      %dma_start3A_444 = tpu.memref_slice %arg7[%dma_start3A_443] : memref<6x!tpu.dma_semaphore, #tpu.memory_space<semaphore_mem>> -> memref<1x!tpu.dma_semaphore, #tpu.memory_space<semaphore_mem>>
      %dma_start3A_445 = tpu.memref_squeeze %dma_start3A_444 : memref<1x!tpu.dma_semaphore, #tpu.memory_space<semaphore_mem>> -> memref<!tpu.dma_semaphore, #tpu.memory_space<semaphore_mem>>
      %dma_start3A_446 = arith.constant 0 : i32
      %dma_start3A_447 = arith.constant 45056 : i32
      %dma_start3A_448 = tpu.memref_slice %arg3[%dma_start3A_446, %dma_start3A_447] : memref<128x65536xf32, #tpu.memory_space<any>> -> memref<128x4096xf32, #tpu.memory_space<any>>
      tpu.enqueue_dma source(%arg5 : memref<128x4096xf32, #tpu.memory_space<vmem>>) target(%dma_start3A_448 : memref<128x4096xf32, #tpu.memory_space<any>>) target_semaphore(%dma_start3A_445 : memref<!tpu.dma_semaphore, #tpu.memory_space<semaphore_mem>>)
    } else {
    }
    %ne3A_310 = arith.constant 11 : i32
    %ne3A_311 = arith.cmpi ne, %select_n3A, %ne3A_310 : i32
    %convert_element_type3A_312 = arith.extui %ne3A_311 : i1 to i32
    %cond3A_313 = arith.constant 0 : i32
    %cond3A_314 = arith.cmpi ne, %convert_element_type3A_312, %cond3A_313 : i32
    scf.if %cond3A_314 {
      %dma_start3A_443 = arith.constant 5 : i32
      %dma_start3A_444 = arith.constant 5 : i32
      %dma_start3A_445 = tpu.memref_slice %arg7[%dma_start3A_444] : memref<6x!tpu.dma_semaphore, #tpu.memory_space<semaphore_mem>> -> memref<1x!tpu.dma_semaphore, #tpu.memory_space<semaphore_mem>>
      %dma_start3A_446 = tpu.memref_squeeze %dma_start3A_445 : memref<1x!tpu.dma_semaphore, #tpu.memory_space<semaphore_mem>> -> memref<!tpu.dma_semaphore, #tpu.memory_space<semaphore_mem>>
      %dma_start3A_447 = arith.constant 0 : i32
      %dma_start3A_448 = arith.constant 45056 : i32
      %dma_start3A_449 = tpu.memref_slice %arg3[%dma_start3A_447, %dma_start3A_448] : memref<128x65536xf32, #tpu.memory_space<any>> -> memref<128x4096xf32, #tpu.memory_space<any>>
      %dma_start3A_450 = arith.constant 0 : i32
      %dma_start3A_451 = arith.constant 4096 : i32
      %dma_start3A_452 = tpu.memref_slice %arg4[%dma_start3A_443, %dma_start3A_450, %dma_start3A_451] : memref<6x128x8192xf32, #tpu.memory_space<vmem>> -> memref<1x128x4096xf32, #tpu.memory_space<vmem>>
      %dma_start3A_453 = tpu.memref_squeeze %dma_start3A_452 : memref<1x128x4096xf32, #tpu.memory_space<vmem>> -> memref<128x4096xf32, #tpu.memory_space<vmem>>
      tpu.enqueue_dma source(%dma_start3A_453 : memref<128x4096xf32, #tpu.memory_space<vmem>>) target(%dma_start3A_449 : memref<128x4096xf32, #tpu.memory_space<any>>) target_semaphore(%dma_start3A_446 : memref<!tpu.dma_semaphore, #tpu.memory_space<semaphore_mem>>)
    } else {
    }
    %dma_wait3A_315 = arith.constant 0 : i32
    %dma_wait3A_316 = arith.constant 0 : i32
    %dma_wait3A_317 = tpu.memref_slice %arg6[%dma_wait3A_316] : memref<6x!tpu.dma_semaphore, #tpu.memory_space<semaphore_mem>> -> memref<1x!tpu.dma_semaphore, #tpu.memory_space<semaphore_mem>>
    %dma_wait3A_318 = tpu.memref_squeeze %dma_wait3A_317 : memref<1x!tpu.dma_semaphore, #tpu.memory_space<semaphore_mem>> -> memref<!tpu.dma_semaphore, #tpu.memory_space<semaphore_mem>>
    %dma_wait3A_319 = arith.constant 0 : i32
    %dma_wait3A_320 = arith.constant 0 : i32
    %dma_wait3A_321 = tpu.memref_slice %arg4[%dma_wait3A_315, %dma_wait3A_319, %dma_wait3A_320] : memref<6x128x8192xf32, #tpu.memory_space<vmem>> -> memref<1x128x8192xf32, #tpu.memory_space<vmem>>
    %dma_wait3A_322 = tpu.memref_squeeze %dma_wait3A_321 : memref<1x128x8192xf32, #tpu.memory_space<vmem>> -> memref<128x8192xf32, #tpu.memory_space<vmem>>
    %dma_wait3A_323 = arith.constant 0 : i32
    %dma_wait3A_324 = arith.constant 49152 : i32
    %dma_wait3A_325 = tpu.memref_slice %arg2[%dma_wait3A_323, %dma_wait3A_324] : memref<128x65536xf32, #tpu.memory_space<any>> -> memref<128x8192xf32, #tpu.memory_space<any>>
    tpu.wait_dma2 semaphore(%dma_wait3A_318 : memref<!tpu.dma_semaphore, #tpu.memory_space<semaphore_mem>>) src(%dma_wait3A_325 : memref<128x8192xf32, #tpu.memory_space<any>>) dst(%dma_wait3A_322 : memref<128x8192xf32, #tpu.memory_space<vmem>>)
    %eq3A_326 = arith.constant 12 : i32
    %eq3A_327 = arith.cmpi eq, %select_n3A, %eq3A_326 : i32
    %convert_element_type3A_328 = arith.extui %eq3A_327 : i1 to i32
    %cond3A_329 = arith.constant 0 : i32
    %cond3A_330 = arith.cmpi ne, %convert_element_type3A_328, %cond3A_329 : i32
    scf.if %cond3A_330 {
      %dma_start3A_443 = arith.constant 0 : i32
      %dma_start3A_444 = tpu.memref_slice %arg7[%dma_start3A_443] : memref<6x!tpu.dma_semaphore, #tpu.memory_space<semaphore_mem>> -> memref<1x!tpu.dma_semaphore, #tpu.memory_space<semaphore_mem>>
      %dma_start3A_445 = tpu.memref_squeeze %dma_start3A_444 : memref<1x!tpu.dma_semaphore, #tpu.memory_space<semaphore_mem>> -> memref<!tpu.dma_semaphore, #tpu.memory_space<semaphore_mem>>
      %dma_start3A_446 = arith.constant 0 : i32
      %dma_start3A_447 = arith.constant 49152 : i32
      %dma_start3A_448 = tpu.memref_slice %arg3[%dma_start3A_446, %dma_start3A_447] : memref<128x65536xf32, #tpu.memory_space<any>> -> memref<128x4096xf32, #tpu.memory_space<any>>
      tpu.enqueue_dma source(%arg5 : memref<128x4096xf32, #tpu.memory_space<vmem>>) target(%dma_start3A_448 : memref<128x4096xf32, #tpu.memory_space<any>>) target_semaphore(%dma_start3A_445 : memref<!tpu.dma_semaphore, #tpu.memory_space<semaphore_mem>>)
    } else {
    }
    %ne3A_331 = arith.constant 12 : i32
    %ne3A_332 = arith.cmpi ne, %select_n3A, %ne3A_331 : i32
    %convert_element_type3A_333 = arith.extui %ne3A_332 : i1 to i32
    %cond3A_334 = arith.constant 0 : i32
    %cond3A_335 = arith.cmpi ne, %convert_element_type3A_333, %cond3A_334 : i32
    scf.if %cond3A_335 {
      %dma_start3A_443 = arith.constant 0 : i32
      %dma_start3A_444 = arith.constant 0 : i32
      %dma_start3A_445 = tpu.memref_slice %arg7[%dma_start3A_444] : memref<6x!tpu.dma_semaphore, #tpu.memory_space<semaphore_mem>> -> memref<1x!tpu.dma_semaphore, #tpu.memory_space<semaphore_mem>>
      %dma_start3A_446 = tpu.memref_squeeze %dma_start3A_445 : memref<1x!tpu.dma_semaphore, #tpu.memory_space<semaphore_mem>> -> memref<!tpu.dma_semaphore, #tpu.memory_space<semaphore_mem>>
      %dma_start3A_447 = arith.constant 0 : i32
      %dma_start3A_448 = arith.constant 49152 : i32
      %dma_start3A_449 = tpu.memref_slice %arg3[%dma_start3A_447, %dma_start3A_448] : memref<128x65536xf32, #tpu.memory_space<any>> -> memref<128x4096xf32, #tpu.memory_space<any>>
      %dma_start3A_450 = arith.constant 0 : i32
      %dma_start3A_451 = arith.constant 0 : i32
      %dma_start3A_452 = tpu.memref_slice %arg4[%dma_start3A_443, %dma_start3A_450, %dma_start3A_451] : memref<6x128x8192xf32, #tpu.memory_space<vmem>> -> memref<1x128x4096xf32, #tpu.memory_space<vmem>>
      %dma_start3A_453 = tpu.memref_squeeze %dma_start3A_452 : memref<1x128x4096xf32, #tpu.memory_space<vmem>> -> memref<128x4096xf32, #tpu.memory_space<vmem>>
      tpu.enqueue_dma source(%dma_start3A_453 : memref<128x4096xf32, #tpu.memory_space<vmem>>) target(%dma_start3A_449 : memref<128x4096xf32, #tpu.memory_space<any>>) target_semaphore(%dma_start3A_446 : memref<!tpu.dma_semaphore, #tpu.memory_space<semaphore_mem>>)
    } else {
    }
    %eq3A_336 = arith.constant 13 : i32
    %eq3A_337 = arith.cmpi eq, %select_n3A, %eq3A_336 : i32
    %convert_element_type3A_338 = arith.extui %eq3A_337 : i1 to i32
    %cond3A_339 = arith.constant 0 : i32
    %cond3A_340 = arith.cmpi ne, %convert_element_type3A_338, %cond3A_339 : i32
    scf.if %cond3A_340 {
      %dma_start3A_443 = arith.constant 0 : i32
      %dma_start3A_444 = tpu.memref_slice %arg7[%dma_start3A_443] : memref<6x!tpu.dma_semaphore, #tpu.memory_space<semaphore_mem>> -> memref<1x!tpu.dma_semaphore, #tpu.memory_space<semaphore_mem>>
      %dma_start3A_445 = tpu.memref_squeeze %dma_start3A_444 : memref<1x!tpu.dma_semaphore, #tpu.memory_space<semaphore_mem>> -> memref<!tpu.dma_semaphore, #tpu.memory_space<semaphore_mem>>
      %dma_start3A_446 = arith.constant 0 : i32
      %dma_start3A_447 = arith.constant 53248 : i32
      %dma_start3A_448 = tpu.memref_slice %arg3[%dma_start3A_446, %dma_start3A_447] : memref<128x65536xf32, #tpu.memory_space<any>> -> memref<128x4096xf32, #tpu.memory_space<any>>
      tpu.enqueue_dma source(%arg5 : memref<128x4096xf32, #tpu.memory_space<vmem>>) target(%dma_start3A_448 : memref<128x4096xf32, #tpu.memory_space<any>>) target_semaphore(%dma_start3A_445 : memref<!tpu.dma_semaphore, #tpu.memory_space<semaphore_mem>>)
    } else {
    }
    %ne3A_341 = arith.constant 13 : i32
    %ne3A_342 = arith.cmpi ne, %select_n3A, %ne3A_341 : i32
    %convert_element_type3A_343 = arith.extui %ne3A_342 : i1 to i32
    %cond3A_344 = arith.constant 0 : i32
    %cond3A_345 = arith.cmpi ne, %convert_element_type3A_343, %cond3A_344 : i32
    scf.if %cond3A_345 {
      %dma_start3A_443 = arith.constant 0 : i32
      %dma_start3A_444 = arith.constant 0 : i32
      %dma_start3A_445 = tpu.memref_slice %arg7[%dma_start3A_444] : memref<6x!tpu.dma_semaphore, #tpu.memory_space<semaphore_mem>> -> memref<1x!tpu.dma_semaphore, #tpu.memory_space<semaphore_mem>>
      %dma_start3A_446 = tpu.memref_squeeze %dma_start3A_445 : memref<1x!tpu.dma_semaphore, #tpu.memory_space<semaphore_mem>> -> memref<!tpu.dma_semaphore, #tpu.memory_space<semaphore_mem>>
      %dma_start3A_447 = arith.constant 0 : i32
      %dma_start3A_448 = arith.constant 53248 : i32
      %dma_start3A_449 = tpu.memref_slice %arg3[%dma_start3A_447, %dma_start3A_448] : memref<128x65536xf32, #tpu.memory_space<any>> -> memref<128x4096xf32, #tpu.memory_space<any>>
      %dma_start3A_450 = arith.constant 0 : i32
      %dma_start3A_451 = arith.constant 4096 : i32
      %dma_start3A_452 = tpu.memref_slice %arg4[%dma_start3A_443, %dma_start3A_450, %dma_start3A_451] : memref<6x128x8192xf32, #tpu.memory_space<vmem>> -> memref<1x128x4096xf32, #tpu.memory_space<vmem>>
      %dma_start3A_453 = tpu.memref_squeeze %dma_start3A_452 : memref<1x128x4096xf32, #tpu.memory_space<vmem>> -> memref<128x4096xf32, #tpu.memory_space<vmem>>
      tpu.enqueue_dma source(%dma_start3A_453 : memref<128x4096xf32, #tpu.memory_space<vmem>>) target(%dma_start3A_449 : memref<128x4096xf32, #tpu.memory_space<any>>) target_semaphore(%dma_start3A_446 : memref<!tpu.dma_semaphore, #tpu.memory_space<semaphore_mem>>)
    } else {
    }
    %dma_wait3A_346 = arith.constant 1 : i32
    %dma_wait3A_347 = arith.constant 1 : i32
    %dma_wait3A_348 = tpu.memref_slice %arg6[%dma_wait3A_347] : memref<6x!tpu.dma_semaphore, #tpu.memory_space<semaphore_mem>> -> memref<1x!tpu.dma_semaphore, #tpu.memory_space<semaphore_mem>>
    %dma_wait3A_349 = tpu.memref_squeeze %dma_wait3A_348 : memref<1x!tpu.dma_semaphore, #tpu.memory_space<semaphore_mem>> -> memref<!tpu.dma_semaphore, #tpu.memory_space<semaphore_mem>>
    %dma_wait3A_350 = arith.constant 0 : i32
    %dma_wait3A_351 = arith.constant 0 : i32
    %dma_wait3A_352 = tpu.memref_slice %arg4[%dma_wait3A_346, %dma_wait3A_350, %dma_wait3A_351] : memref<6x128x8192xf32, #tpu.memory_space<vmem>> -> memref<1x128x8192xf32, #tpu.memory_space<vmem>>
    %dma_wait3A_353 = tpu.memref_squeeze %dma_wait3A_352 : memref<1x128x8192xf32, #tpu.memory_space<vmem>> -> memref<128x8192xf32, #tpu.memory_space<vmem>>
    %dma_wait3A_354 = arith.constant 0 : i32
    %dma_wait3A_355 = arith.constant 57344 : i32
    %dma_wait3A_356 = tpu.memref_slice %arg2[%dma_wait3A_354, %dma_wait3A_355] : memref<128x65536xf32, #tpu.memory_space<any>> -> memref<128x8192xf32, #tpu.memory_space<any>>
    tpu.wait_dma2 semaphore(%dma_wait3A_349 : memref<!tpu.dma_semaphore, #tpu.memory_space<semaphore_mem>>) src(%dma_wait3A_356 : memref<128x8192xf32, #tpu.memory_space<any>>) dst(%dma_wait3A_353 : memref<128x8192xf32, #tpu.memory_space<vmem>>)
    %eq3A_357 = arith.constant 14 : i32
    %eq3A_358 = arith.cmpi eq, %select_n3A, %eq3A_357 : i32
    %convert_element_type3A_359 = arith.extui %eq3A_358 : i1 to i32
    %cond3A_360 = arith.constant 0 : i32
    %cond3A_361 = arith.cmpi ne, %convert_element_type3A_359, %cond3A_360 : i32
    scf.if %cond3A_361 {
      %dma_start3A_443 = arith.constant 1 : i32
      %dma_start3A_444 = tpu.memref_slice %arg7[%dma_start3A_443] : memref<6x!tpu.dma_semaphore, #tpu.memory_space<semaphore_mem>> -> memref<1x!tpu.dma_semaphore, #tpu.memory_space<semaphore_mem>>
      %dma_start3A_445 = tpu.memref_squeeze %dma_start3A_444 : memref<1x!tpu.dma_semaphore, #tpu.memory_space<semaphore_mem>> -> memref<!tpu.dma_semaphore, #tpu.memory_space<semaphore_mem>>
      %dma_start3A_446 = arith.constant 0 : i32
      %dma_start3A_447 = arith.constant 57344 : i32
      %dma_start3A_448 = tpu.memref_slice %arg3[%dma_start3A_446, %dma_start3A_447] : memref<128x65536xf32, #tpu.memory_space<any>> -> memref<128x4096xf32, #tpu.memory_space<any>>
      tpu.enqueue_dma source(%arg5 : memref<128x4096xf32, #tpu.memory_space<vmem>>) target(%dma_start3A_448 : memref<128x4096xf32, #tpu.memory_space<any>>) target_semaphore(%dma_start3A_445 : memref<!tpu.dma_semaphore, #tpu.memory_space<semaphore_mem>>)
    } else {
    }
    %ne3A_362 = arith.constant 14 : i32
    %ne3A_363 = arith.cmpi ne, %select_n3A, %ne3A_362 : i32
    %convert_element_type3A_364 = arith.extui %ne3A_363 : i1 to i32
    %cond3A_365 = arith.constant 0 : i32
    %cond3A_366 = arith.cmpi ne, %convert_element_type3A_364, %cond3A_365 : i32
    scf.if %cond3A_366 {
      %dma_start3A_443 = arith.constant 1 : i32
      %dma_start3A_444 = arith.constant 1 : i32
      %dma_start3A_445 = tpu.memref_slice %arg7[%dma_start3A_444] : memref<6x!tpu.dma_semaphore, #tpu.memory_space<semaphore_mem>> -> memref<1x!tpu.dma_semaphore, #tpu.memory_space<semaphore_mem>>
      %dma_start3A_446 = tpu.memref_squeeze %dma_start3A_445 : memref<1x!tpu.dma_semaphore, #tpu.memory_space<semaphore_mem>> -> memref<!tpu.dma_semaphore, #tpu.memory_space<semaphore_mem>>
      %dma_start3A_447 = arith.constant 0 : i32
      %dma_start3A_448 = arith.constant 57344 : i32
      %dma_start3A_449 = tpu.memref_slice %arg3[%dma_start3A_447, %dma_start3A_448] : memref<128x65536xf32, #tpu.memory_space<any>> -> memref<128x4096xf32, #tpu.memory_space<any>>
      %dma_start3A_450 = arith.constant 0 : i32
      %dma_start3A_451 = arith.constant 0 : i32
      %dma_start3A_452 = tpu.memref_slice %arg4[%dma_start3A_443, %dma_start3A_450, %dma_start3A_451] : memref<6x128x8192xf32, #tpu.memory_space<vmem>> -> memref<1x128x4096xf32, #tpu.memory_space<vmem>>
      %dma_start3A_453 = tpu.memref_squeeze %dma_start3A_452 : memref<1x128x4096xf32, #tpu.memory_space<vmem>> -> memref<128x4096xf32, #tpu.memory_space<vmem>>
      tpu.enqueue_dma source(%dma_start3A_453 : memref<128x4096xf32, #tpu.memory_space<vmem>>) target(%dma_start3A_449 : memref<128x4096xf32, #tpu.memory_space<any>>) target_semaphore(%dma_start3A_446 : memref<!tpu.dma_semaphore, #tpu.memory_space<semaphore_mem>>)
    } else {
    }
    %eq3A_367 = arith.constant 15 : i32
    %eq3A_368 = arith.cmpi eq, %select_n3A, %eq3A_367 : i32
    %convert_element_type3A_369 = arith.extui %eq3A_368 : i1 to i32
    %cond3A_370 = arith.constant 0 : i32
    %cond3A_371 = arith.cmpi ne, %convert_element_type3A_369, %cond3A_370 : i32
    scf.if %cond3A_371 {
      %dma_start3A_443 = arith.constant 1 : i32
      %dma_start3A_444 = tpu.memref_slice %arg7[%dma_start3A_443] : memref<6x!tpu.dma_semaphore, #tpu.memory_space<semaphore_mem>> -> memref<1x!tpu.dma_semaphore, #tpu.memory_space<semaphore_mem>>
      %dma_start3A_445 = tpu.memref_squeeze %dma_start3A_444 : memref<1x!tpu.dma_semaphore, #tpu.memory_space<semaphore_mem>> -> memref<!tpu.dma_semaphore, #tpu.memory_space<semaphore_mem>>
      %dma_start3A_446 = arith.constant 0 : i32
      %dma_start3A_447 = arith.constant 61440 : i32
      %dma_start3A_448 = tpu.memref_slice %arg3[%dma_start3A_446, %dma_start3A_447] : memref<128x65536xf32, #tpu.memory_space<any>> -> memref<128x4096xf32, #tpu.memory_space<any>>
      tpu.enqueue_dma source(%arg5 : memref<128x4096xf32, #tpu.memory_space<vmem>>) target(%dma_start3A_448 : memref<128x4096xf32, #tpu.memory_space<any>>) target_semaphore(%dma_start3A_445 : memref<!tpu.dma_semaphore, #tpu.memory_space<semaphore_mem>>)
    } else {
    }
    %ne3A_372 = arith.constant 15 : i32
    %ne3A_373 = arith.cmpi ne, %select_n3A, %ne3A_372 : i32
    %convert_element_type3A_374 = arith.extui %ne3A_373 : i1 to i32
    %cond3A_375 = arith.constant 0 : i32
    %cond3A_376 = arith.cmpi ne, %convert_element_type3A_374, %cond3A_375 : i32
    scf.if %cond3A_376 {
      %dma_start3A_443 = arith.constant 1 : i32
      %dma_start3A_444 = arith.constant 1 : i32
      %dma_start3A_445 = tpu.memref_slice %arg7[%dma_start3A_444] : memref<6x!tpu.dma_semaphore, #tpu.memory_space<semaphore_mem>> -> memref<1x!tpu.dma_semaphore, #tpu.memory_space<semaphore_mem>>
      %dma_start3A_446 = tpu.memref_squeeze %dma_start3A_445 : memref<1x!tpu.dma_semaphore, #tpu.memory_space<semaphore_mem>> -> memref<!tpu.dma_semaphore, #tpu.memory_space<semaphore_mem>>
      %dma_start3A_447 = arith.constant 0 : i32
      %dma_start3A_448 = arith.constant 61440 : i32
      %dma_start3A_449 = tpu.memref_slice %arg3[%dma_start3A_447, %dma_start3A_448] : memref<128x65536xf32, #tpu.memory_space<any>> -> memref<128x4096xf32, #tpu.memory_space<any>>
      %dma_start3A_450 = arith.constant 0 : i32
      %dma_start3A_451 = arith.constant 4096 : i32
      %dma_start3A_452 = tpu.memref_slice %arg4[%dma_start3A_443, %dma_start3A_450, %dma_start3A_451] : memref<6x128x8192xf32, #tpu.memory_space<vmem>> -> memref<1x128x4096xf32, #tpu.memory_space<vmem>>
      %dma_start3A_453 = tpu.memref_squeeze %dma_start3A_452 : memref<1x128x4096xf32, #tpu.memory_space<vmem>> -> memref<128x4096xf32, #tpu.memory_space<vmem>>
      tpu.enqueue_dma source(%dma_start3A_453 : memref<128x4096xf32, #tpu.memory_space<vmem>>) target(%dma_start3A_449 : memref<128x4096xf32, #tpu.memory_space<any>>) target_semaphore(%dma_start3A_446 : memref<!tpu.dma_semaphore, #tpu.memory_space<semaphore_mem>>)
    } else {
    }
    %dma_wait3A_377 = arith.constant 2 : i32
    %dma_wait3A_378 = arith.constant 2 : i32
    %dma_wait3A_379 = tpu.memref_slice %arg7[%dma_wait3A_378] : memref<6x!tpu.dma_semaphore, #tpu.memory_space<semaphore_mem>> -> memref<1x!tpu.dma_semaphore, #tpu.memory_space<semaphore_mem>>
    %dma_wait3A_380 = tpu.memref_squeeze %dma_wait3A_379 : memref<1x!tpu.dma_semaphore, #tpu.memory_space<semaphore_mem>> -> memref<!tpu.dma_semaphore, #tpu.memory_space<semaphore_mem>>
    %dma_wait3A_381 = arith.constant 0 : i32
    %dma_wait3A_382 = arith.constant 16384 : i32
    %dma_wait3A_383 = tpu.memref_slice %arg3[%dma_wait3A_381, %dma_wait3A_382] : memref<128x65536xf32, #tpu.memory_space<any>> -> memref<128x8192xf32, #tpu.memory_space<any>>
    %dma_wait3A_384 = arith.constant 0 : i32
    %dma_wait3A_385 = arith.constant 0 : i32
    %dma_wait3A_386 = tpu.memref_slice %arg4[%dma_wait3A_377, %dma_wait3A_384, %dma_wait3A_385] : memref<6x128x8192xf32, #tpu.memory_space<vmem>> -> memref<1x128x8192xf32, #tpu.memory_space<vmem>>
    %dma_wait3A_387 = tpu.memref_squeeze %dma_wait3A_386 : memref<1x128x8192xf32, #tpu.memory_space<vmem>> -> memref<128x8192xf32, #tpu.memory_space<vmem>>
    tpu.wait_dma2 semaphore(%dma_wait3A_380 : memref<!tpu.dma_semaphore, #tpu.memory_space<semaphore_mem>>) src(%dma_wait3A_387 : memref<128x8192xf32, #tpu.memory_space<vmem>>) dst(%dma_wait3A_383 : memref<128x8192xf32, #tpu.memory_space<any>>)
    %dma_wait3A_388 = arith.constant 3 : i32
    %dma_wait3A_389 = arith.constant 3 : i32
    %dma_wait3A_390 = tpu.memref_slice %arg7[%dma_wait3A_389] : memref<6x!tpu.dma_semaphore, #tpu.memory_space<semaphore_mem>> -> memref<1x!tpu.dma_semaphore, #tpu.memory_space<semaphore_mem>>
    %dma_wait3A_391 = tpu.memref_squeeze %dma_wait3A_390 : memref<1x!tpu.dma_semaphore, #tpu.memory_space<semaphore_mem>> -> memref<!tpu.dma_semaphore, #tpu.memory_space<semaphore_mem>>
    %dma_wait3A_392 = arith.constant 0 : i32
    %dma_wait3A_393 = arith.constant 24576 : i32
    %dma_wait3A_394 = tpu.memref_slice %arg3[%dma_wait3A_392, %dma_wait3A_393] : memref<128x65536xf32, #tpu.memory_space<any>> -> memref<128x8192xf32, #tpu.memory_space<any>>
    %dma_wait3A_395 = arith.constant 0 : i32
    %dma_wait3A_396 = arith.constant 0 : i32
    %dma_wait3A_397 = tpu.memref_slice %arg4[%dma_wait3A_388, %dma_wait3A_395, %dma_wait3A_396] : memref<6x128x8192xf32, #tpu.memory_space<vmem>> -> memref<1x128x8192xf32, #tpu.memory_space<vmem>>
    %dma_wait3A_398 = tpu.memref_squeeze %dma_wait3A_397 : memref<1x128x8192xf32, #tpu.memory_space<vmem>> -> memref<128x8192xf32, #tpu.memory_space<vmem>>
    tpu.wait_dma2 semaphore(%dma_wait3A_391 : memref<!tpu.dma_semaphore, #tpu.memory_space<semaphore_mem>>) src(%dma_wait3A_398 : memref<128x8192xf32, #tpu.memory_space<vmem>>) dst(%dma_wait3A_394 : memref<128x8192xf32, #tpu.memory_space<any>>)
    %dma_wait3A_399 = arith.constant 4 : i32
    %dma_wait3A_400 = arith.constant 4 : i32
    %dma_wait3A_401 = tpu.memref_slice %arg7[%dma_wait3A_400] : memref<6x!tpu.dma_semaphore, #tpu.memory_space<semaphore_mem>> -> memref<1x!tpu.dma_semaphore, #tpu.memory_space<semaphore_mem>>
    %dma_wait3A_402 = tpu.memref_squeeze %dma_wait3A_401 : memref<1x!tpu.dma_semaphore, #tpu.memory_space<semaphore_mem>> -> memref<!tpu.dma_semaphore, #tpu.memory_space<semaphore_mem>>
    %dma_wait3A_403 = arith.constant 0 : i32
    %dma_wait3A_404 = arith.constant 32768 : i32
    %dma_wait3A_405 = tpu.memref_slice %arg3[%dma_wait3A_403, %dma_wait3A_404] : memref<128x65536xf32, #tpu.memory_space<any>> -> memref<128x8192xf32, #tpu.memory_space<any>>
    %dma_wait3A_406 = arith.constant 0 : i32
    %dma_wait3A_407 = arith.constant 0 : i32
    %dma_wait3A_408 = tpu.memref_slice %arg4[%dma_wait3A_399, %dma_wait3A_406, %dma_wait3A_407] : memref<6x128x8192xf32, #tpu.memory_space<vmem>> -> memref<1x128x8192xf32, #tpu.memory_space<vmem>>
    %dma_wait3A_409 = tpu.memref_squeeze %dma_wait3A_408 : memref<1x128x8192xf32, #tpu.memory_space<vmem>> -> memref<128x8192xf32, #tpu.memory_space<vmem>>
    tpu.wait_dma2 semaphore(%dma_wait3A_402 : memref<!tpu.dma_semaphore, #tpu.memory_space<semaphore_mem>>) src(%dma_wait3A_409 : memref<128x8192xf32, #tpu.memory_space<vmem>>) dst(%dma_wait3A_405 : memref<128x8192xf32, #tpu.memory_space<any>>)
    %dma_wait3A_410 = arith.constant 5 : i32
    %dma_wait3A_411 = arith.constant 5 : i32
    %dma_wait3A_412 = tpu.memref_slice %arg7[%dma_wait3A_411] : memref<6x!tpu.dma_semaphore, #tpu.memory_space<semaphore_mem>> -> memref<1x!tpu.dma_semaphore, #tpu.memory_space<semaphore_mem>>
    %dma_wait3A_413 = tpu.memref_squeeze %dma_wait3A_412 : memref<1x!tpu.dma_semaphore, #tpu.memory_space<semaphore_mem>> -> memref<!tpu.dma_semaphore, #tpu.memory_space<semaphore_mem>>
    %dma_wait3A_414 = arith.constant 0 : i32
    %dma_wait3A_415 = arith.constant 40960 : i32
    %dma_wait3A_416 = tpu.memref_slice %arg3[%dma_wait3A_414, %dma_wait3A_415] : memref<128x65536xf32, #tpu.memory_space<any>> -> memref<128x8192xf32, #tpu.memory_space<any>>
    %dma_wait3A_417 = arith.constant 0 : i32
    %dma_wait3A_418 = arith.constant 0 : i32
    %dma_wait3A_419 = tpu.memref_slice %arg4[%dma_wait3A_410, %dma_wait3A_417, %dma_wait3A_418] : memref<6x128x8192xf32, #tpu.memory_space<vmem>> -> memref<1x128x8192xf32, #tpu.memory_space<vmem>>
    %dma_wait3A_420 = tpu.memref_squeeze %dma_wait3A_419 : memref<1x128x8192xf32, #tpu.memory_space<vmem>> -> memref<128x8192xf32, #tpu.memory_space<vmem>>
    tpu.wait_dma2 semaphore(%dma_wait3A_413 : memref<!tpu.dma_semaphore, #tpu.memory_space<semaphore_mem>>) src(%dma_wait3A_420 : memref<128x8192xf32, #tpu.memory_space<vmem>>) dst(%dma_wait3A_416 : memref<128x8192xf32, #tpu.memory_space<any>>)
    %dma_wait3A_421 = arith.constant 0 : i32
    %dma_wait3A_422 = arith.constant 0 : i32
    %dma_wait3A_423 = tpu.memref_slice %arg7[%dma_wait3A_422] : memref<6x!tpu.dma_semaphore, #tpu.memory_space<semaphore_mem>> -> memref<1x!tpu.dma_semaphore, #tpu.memory_space<semaphore_mem>>
    %dma_wait3A_424 = tpu.memref_squeeze %dma_wait3A_423 : memref<1x!tpu.dma_semaphore, #tpu.memory_space<semaphore_mem>> -> memref<!tpu.dma_semaphore, #tpu.memory_space<semaphore_mem>>
    %dma_wait3A_425 = arith.constant 0 : i32
    %dma_wait3A_426 = arith.constant 49152 : i32
    %dma_wait3A_427 = tpu.memref_slice %arg3[%dma_wait3A_425, %dma_wait3A_426] : memref<128x65536xf32, #tpu.memory_space<any>> -> memref<128x8192xf32, #tpu.memory_space<any>>
    %dma_wait3A_428 = arith.constant 0 : i32
    %dma_wait3A_429 = arith.constant 0 : i32
    %dma_wait3A_430 = tpu.memref_slice %arg4[%dma_wait3A_421, %dma_wait3A_428, %dma_wait3A_429] : memref<6x128x8192xf32, #tpu.memory_space<vmem>> -> memref<1x128x8192xf32, #tpu.memory_space<vmem>>
    %dma_wait3A_431 = tpu.memref_squeeze %dma_wait3A_430 : memref<1x128x8192xf32, #tpu.memory_space<vmem>> -> memref<128x8192xf32, #tpu.memory_space<vmem>>
    tpu.wait_dma2 semaphore(%dma_wait3A_424 : memref<!tpu.dma_semaphore, #tpu.memory_space<semaphore_mem>>) src(%dma_wait3A_431 : memref<128x8192xf32, #tpu.memory_space<vmem>>) dst(%dma_wait3A_427 : memref<128x8192xf32, #tpu.memory_space<any>>)
    %dma_wait3A_432 = arith.constant 1 : i32
    %dma_wait3A_433 = arith.constant 1 : i32
    %dma_wait3A_434 = tpu.memref_slice %arg7[%dma_wait3A_433] : memref<6x!tpu.dma_semaphore, #tpu.memory_space<semaphore_mem>> -> memref<1x!tpu.dma_semaphore, #tpu.memory_space<semaphore_mem>>
    %dma_wait3A_435 = tpu.memref_squeeze %dma_wait3A_434 : memref<1x!tpu.dma_semaphore, #tpu.memory_space<semaphore_mem>> -> memref<!tpu.dma_semaphore, #tpu.memory_space<semaphore_mem>>
    %dma_wait3A_436 = arith.constant 0 : i32
    %dma_wait3A_437 = arith.constant 57344 : i32
    %dma_wait3A_438 = tpu.memref_slice %arg3[%dma_wait3A_436, %dma_wait3A_437] : memref<128x65536xf32, #tpu.memory_space<any>> -> memref<128x8192xf32, #tpu.memory_space<any>>
    %dma_wait3A_439 = arith.constant 0 : i32
    %dma_wait3A_440 = arith.constant 0 : i32
    %dma_wait3A_441 = tpu.memref_slice %arg4[%dma_wait3A_432, %dma_wait3A_439, %dma_wait3A_440] : memref<6x128x8192xf32, #tpu.memory_space<vmem>> -> memref<1x128x8192xf32, #tpu.memory_space<vmem>>
    %dma_wait3A_442 = tpu.memref_squeeze %dma_wait3A_441 : memref<1x128x8192xf32, #tpu.memory_space<vmem>> -> memref<128x8192xf32, #tpu.memory_space<vmem>>
    tpu.wait_dma2 semaphore(%dma_wait3A_435 : memref<!tpu.dma_semaphore, #tpu.memory_space<semaphore_mem>>) src(%dma_wait3A_442 : memref<128x8192xf32, #tpu.memory_space<vmem>>) dst(%dma_wait3A_438 : memref<128x8192xf32, #tpu.memory_space<any>>)
    return
  }
}

</mosaic_0001>

<sc_bundles>
// kernel: kernel.4.cloned.1.call-start
scs
__scs_entry_jumppad:
0x0: {  	(pc) =	sbr.rel $0x88, $3  }
0x1: {  	(tag) =	ssettag $0x0;
	lr =	simm.s32 $0x1  }
0x2: {  	[smem:$0x3F99] =	sst lr;
	_ =	strace $0xD0000000  }
0x3: {  	_ = 	snop  }
0x4: {  	_ = 	snop  }
0x5: {  	_ = 	snop  }
0x6: {  	_ = 	snop  }
0x7: {  	_ = 	snop  }
__scs_overlays_trampoline_lowered:
0x8: {  	[smem:$0x3FA8] =	sst s0  }
0x9: {  	[smem:$0x3FA9] =	sst s1  }
0xa: {  	[smem:$0x3FAA] =	sst s2  }
0xb: {  	[smem:$0x3FAB] =	sst s3  }
0xc: {  	[smem:$0x3FAC] =	sst s4  }
0xd: {  	[smem:$0x3FAD] =	sst s5  }
0xe: {  	[smem:$0x3FAE] =	sst s6  }
0xf: {  	[smem:$0x3FAF] =	sst s7  }
0x10: {  	[smem:$0x3FB0] =	sst s8  }
0x11: {  	[smem:$0x3FB1] =	sst s9;
	s0 =	simm.s32 @!p0 $0x0  }
0x12: {  	s1 =	sld [smem:$0x3F97];
	s0 =	simm.s32 @p0 $0x1  }
0x13: {  	[smem:$0x3FB2] =	sst s0;
	s0 =	simm.s32 @!p1 $0x0  }
0x14: {  	s2 =	sld [smem:$0x3F96];
	s0 =	simm.s32 @p1 $0x1  }
0x15: {  	[smem:$0x3FB3] =	sst s0;
	s0 =	simm.s32 @!p2 $0x0  }
0x16: {  	s3 =	sld [smem:$0x3FDB];
	s0 =	simm.s32 @p2 $0x1  }
0x17: {  	s4 =	simm.s32 $0x1BF5;
	[smem:$0x3FB5] =	sst s0  }
0x18: {  	s0 =	sld [smem:$0x3F98];
	_ =	swait.ge [sflag:s4], $0x0  }
0x19: {  	s7 =	sld [smem:$0x3F99]  }
0x1a: {  	s8 =	sadd.s32 $0xFFFFE003, lr  }
0x1b: {  	s9 =	sadd.s32 $0xFFFFFEF7, lr;
	s5 =	simm.s32 $0xFFFFFFFF;
	p2 =	slt.u32 s8, $0xFFFFF086  }
0x1c: {  	p1 =	slt.u32 s9, $0xF7A;
	s5 =	simm.s32 @!p2 $0x0  }
0x1d: {  	s5 =	simm.s32 @p1 $0x1;
	p0 =	seq.s32 s7, s2  }
0x1e: {  	s7 =	smul.u32 @!p0 $0xF7A, s2;
	p2 =	seq.s32 @!p0 s5, $0x0  }
0x1f: {  	s9 =	smul.u32 $0xF7A, s1;
	s8 =	simm.s32 @!p0 $0x1BF5;
	p2 =	por !p2, p0  }
0x20: {  	[sflag:s8] =	ssyncset.s32 @!p0 $0xFFFFF086;
	s6 =	sadd.s32 @!p0 s3, s7;
	s7 =	simm.s32 @!p0 $0x108  }
0x21: {  	s3 =	sadd.s32 s3, s9;
	s6 =	sadd.s32 @!p0 $0x88, s6;
	s7 =	simm.s32 @p2 $0x1082  }
0x22: {  	[simem:s7], [sflag:s8] =	dma.local @!p0 [hbm:s6], $0xF7A  }
0x23: {  	s9 =	sor.u32 $0xD0000000, s2;
	s6 =	simm.s32 $0x108;
	_ =	swait.ge @!p0 [sflag:s8], $0x0  }
0x24: {  	s3 =	sadd.s32 $0x88, s3;
	s6 =	simm.s32 @!p1 $0x1082;
	[sflag:s4] =	ssyncset.s32 $0xFFFFF086  }
0x25: {  	[simem:s6], [sflag:s4] =	dma.local [hbm:s3], $0xF7A  }
0x26: {  	[smem:$0x3F99] =	sst s1;
	(tag) =	ssettag s2;
	_ =	strace s9  }
0x27: {  	s1 =	sld [smem:$0x3FA9]  }
0x28: {  	s2 =	sld [smem:$0x3FAA]  }
0x29: {  	s4 =	sld [smem:$0x3FAC]  }
0x2a: {  	p0 =	seq.s32 s5, $0x0;
	s5 =	sld [smem:$0x3FAD]  }
0x2b: {  	s6 =	sld [smem:$0x3FAE]  }
0x2c: {  	s7 =	sld [smem:$0x3FAF]  }
0x2d: {  	s3 =	simm.s32 $0x108;
	s8 =	sld [smem:$0x3FB0]  }
0x2e: {  	s3 =	simm.s32 @!p0 $0x1082;
	s9 =	sld [smem:$0x3FB1]  }
0x2f: {  	lr =	sadd.s32 s0, s3;
	s0 =	sld [smem:$0x3FA8]  }
0x30: {  	s3 =	sld [smem:$0x3FAB]  }
0x31: {  	[smem:$0x3FB4] =	sst s10  }
0x32: {  	s10 =	sld [smem:$0x3FB2];
	_ =	sdelay $0x3  }
0x33: {  	p0 =	seq.s32 s10, $0x1;
	s10 =	sld [smem:$0x3FB4];
	_ =	sdelay $0x3  }
0x34: {  	[smem:$0x3FB4] =	sst s10  }
0x35: {  	s10 =	sld [smem:$0x3FB3];
	_ =	sdelay $0x3  }
0x36: {  	p1 =	seq.s32 s10, $0x1;
	s10 =	sld [smem:$0x3FB4];
	_ =	sdelay $0x3  }
0x37: {  	[smem:$0x3FB4] =	sst s10  }
0x38: {  	s10 =	sld [smem:$0x3FB5]  }
0x39: {  	_ = 	snop;
	(pc) =	sbr.ind lr, $3  }
0x3a: {  	_ = 	snop  }
0x3b: {  	_ = 	snop  }
0x3c: {  	p2 =	seq.s32 s10, $0x1;
	s10 =	sld [smem:$0x3FB4]  }
0x3d: {  	_ =	shalt  }
0x3e: {  	_ =	shalt  }
0x3f: {  	_ =	shalt  }
0x40: {  	_ =	shalt  }
0x41: {  	_ =	shalt  }
0x42: {  	_ =	shalt  }
0x43: {  	_ =	shalt  }
0x44: {  	_ =	shalt  }
0x45: {  	_ =	shalt  }
0x46: {  	_ =	shalt  }
0x47: {  	_ =	shalt  }
0x48: {  	_ =	shalt  }
0x49: {  	_ =	shalt  }
0x4a: {  	_ =	shalt  }
0x4b: {  	_ =	shalt  }
0x4c: {  	_ =	shalt  }
0x4d: {  	_ =	shalt  }
0x4e: {  	_ =	shalt  }
0x4f: {  	_ =	shalt  }
0x50: {  	_ =	shalt  }
0x51: {  	_ =	shalt  }
0x52: {  	_ =	shalt  }
0x53: {  	_ =	shalt  }
0x54: {  	_ =	shalt  }
0x55: {  	_ =	shalt  }
0x56: {  	_ =	shalt  }
0x57: {  	_ =	shalt  }
0x58: {  	_ =	shalt  }
0x59: {  	_ =	shalt  }
0x5a: {  	_ =	shalt  }
0x5b: {  	_ =	shalt  }
0x5c: {  	_ =	shalt  }
0x5d: {  	_ =	shalt  }
0x5e: {  	_ =	shalt  }
0x5f: {  	_ =	shalt  }
0x60: {  	_ =	shalt  }
0x61: {  	_ =	shalt  }
0x62: {  	_ =	shalt  }
0x63: {  	_ =	shalt  }
0x64: {  	_ =	shalt  }
0x65: {  	_ =	shalt  }
0x66: {  	_ =	shalt  }
0x67: {  	_ =	shalt  }
0x68: {  	_ =	shalt  }
0x69: {  	_ =	shalt  }
0x6a: {  	_ =	shalt  }
0x6b: {  	_ =	shalt  }
0x6c: {  	_ =	shalt  }
0x6d: {  	_ =	shalt  }
0x6e: {  	_ =	shalt  }
0x6f: {  	_ =	shalt  }
0x70: {  	_ =	shalt  }
0x71: {  	_ =	shalt  }
0x72: {  	_ =	shalt  }
0x73: {  	_ =	shalt  }
0x74: {  	_ =	shalt  }
0x75: {  	_ =	shalt  }
0x76: {  	_ =	shalt  }
0x77: {  	_ =	shalt  }
0x78: {  	_ =	shalt  }
0x79: {  	_ =	shalt  }
0x7a: {  	_ =	shalt  }
0x7b: {  	_ =	shalt  }
0x7c: {  	_ =	shalt  }
0x7d: {  	_ =	shalt  }
0x7e: {  	_ =	shalt  }
0x7f: {  	_ =	shalt  }
0x80: {  	_ =	shalt  }
0x81: {  	_ =	shalt  }
0x82: {  	_ =	shalt  }
0x83: {  	_ =	shalt  }
0x84: {  	_ =	shalt  }
0x85: {  	_ =	shalt  }
0x86: {  	_ =	shalt  }
0x87: {  	_ =	shalt  }
.Lfunc_end0:
.L_simem_size_0:
called_computation_lowered:
.L_overlay_start_0:
0x88: {  	s2 =	sld [smem:$0x3FD9]  }
0x89: {  	s3 =	sld [smem:$0x3FFE];
	_ =	sdelay $0x1  }
0x8a: {  	s1 =	srdreg.scid  }
0x8b: {  	s0 =	sand.u32 $0x1, s1  }
0x8c: {  	s15 =	sshll.u32 s0, $0xA;
	s2 =	sadd.s32 s3, s2  }
0x8d: {  	s2 =	sadd.s32 s2, s15  }
0x8e: {  	[smem:$0x3FC0] =	sst s2  }
0x8f: {  	_ = 	snop  }
0x90: {  	s2 =	sld [smem:$0x3FC8]  }
0x91: {  	s16 =	sld [smem:$0x3FC7]  }
0x92: {  	s4 =	sld [smem:$0x3FD0]  }
0x93: {  	s5 =	sld [smem:$0x3FC5]  }
0x94: {  	s6 =	sld [smem:$0x3FC4]  }
0x95: {  	s8 =	simm.s32 $0xA;
	s9 =	simm.s32 $0x10;
	s7 =	sld [smem:$0x3FC3]  }
0x96: {  	[smem:s9], [sflag:s8] =	dma.local [hbm:s4], $0x1  }
0x97: {  	_ =	swait.eq [sflag:s8], $0x1  }
0x98: {  	[sflag:s8] =	ssyncset.done $0x0  }
0x99: {  	s17 =	sld [smem:$0x11];
	[sflag:s8] =	ssyncadd.s32 $0xFFFFFFFF  }
0x9a: {  	s18 =	sld [smem:$0x12];
	(tm) =	ssettm $0x1  }
0x9b: {  	s19 =	sld [smem:$0x3FFB];
	_ =	sdelay $0x3  }
0x9c: {  	_ =	strace s19  }
0x9d: {  	s9 =	sld [smem:$0x3FFC];
	_ =	sdelay $0x3  }
0x9e: {  	_ =	strace s9  }
0x9f: {  	s9 =	sld [smem:$0x3FFD];
	_ =	sdelay $0x3  }
0xa0: {  	_ =	strace s9  }
0xa1: {  	_ =	strace $0x8FFFFFFF  }
0xa2: {  	s20 =	sld [smem:$0x3FDB];
	_ =	sdelay $0x1  }
0xa3: {  	s10 =	simm.s32 $_scs_section_size  }
0xa4: {  	s11 =	simm.s32 $_size__tile_overlayer_lowered;
	s12 =	simm.s32 $_tile_overlayer_lowered  }
0xa5: {  	s23 =	simm.s32 $0x1BFF;
	s22 =	sshll.u32 s12, $0x1;
	s9 =	sadd.s32 s10, s20  }
0xa6: {  	s13 =	simm.s32 $0x0;
	s21 =	sshll.u32 s11, $0x1;
	s11 =	sadd.s32 s22, s9  }
0xa7: {  	[timem:s13], [sflag:s23] =	dma.local [hbm:s11], s21  }
0xa8: {  	_ =	swait.ge [sflag:s23], s21  }
0xa9: {  	s10 =	ssub.s32 $0x0, s21;
	[sflag:s23] =	ssyncset.done $0x0  }
0xaa: {  	[sflag:s23] =	ssyncadd.s32 s10;
	_ =	sdelay $0x1  }
0xab: {  	s24 =	simm.s32 $0x1B8B  }
0xac: {  	_ =	swait.ge [sflag:s24], $0x1  }
0xad: {  	[sflag:s24] =	ssyncset.done $0x0  }
0xae: {  	s25 =	simm.s32 $0x1B8E;
	[sflag:s24] =	ssyncadd.s32 $0xFFFFFFFF  }
0xaf: {  	s26 =	simm.s32 $execute0_lowered;
	[smem:$0x3FD2] =	sst s25  }
0xb0: {  	s10 =	sshll.u32 s26, $0x1;
	_ =	strace $0x80000046;
	[dreg:$0x1] =	wrdreg $0xFFFFFFFF  }
0xb1: {  	s28 =	simm.s32 $_size_execute0_lowered;
	s9 =	sadd.s32 s9, s10;
	[dreg:$0x0] =	wrdreg $0x0  }
0xb2: {  	s10 =	sshll.u32 s28, $0x1;
	[dreg:$0x2] =	wrdreg s9  }
0xb3: {  	[dreg:$0x3] =	wrdreg s10  }
0xb4: {  	[dreg:$0x4] =	wrdreg $0xC0  }
0xb5: {  	_ =	task [dreg:s13], $0x5FFFF  }
0xb6: {  	[dreg:$0x1] =	wrdreg $0xFFFFFFFF  }
0xb7: {  	[dreg:$0x0] =	wrdreg $0x60  }
0xb8: {  	[dreg:$0x2] =	wrdreg s2  }
0xb9: {  	[dreg:$0x3] =	wrdreg s16  }
0xba: {  	[dreg:$0x4] =	wrdreg s5  }
0xbb: {  	[dreg:$0x5] =	wrdreg s6  }
0xbc: {  	[dreg:$0x6] =	wrdreg s7  }
0xbd: {  	[dreg:$0x7] =	wrdreg s17  }
0xbe: {  	[dreg:$0x8] =	wrdreg s18  }
0xbf: {  	[dreg:$0x9] =	wrdreg $0x9  }
0xc0: {  	_ =	task.clear_ibuf [dreg:s13], $0xAFFFF;
	_ =	strace $0x90000046  }
0xc1: {  	s29 =	simm.s32 $0x9;
	_ =	strace $0x80000048  }
0xc2: {  	_ =	swait.ge [sflag:s29], $0x1  }
0xc3: {  	[sflag:s29] =	ssyncadd.s32 $0xFFFFFFFF  }
0xc4: {  	_ =	strace $0x90000048  }
0xc5: {  	_ =	sfence  }
0xc6: {  	s30 =	sld [smem:$0x0];
	_ =	sdelay $0x2  }
0xc7: {  	s31 =	sshll.u32 s1, $0xD;
	s1 =	sshrl.u32 s1, $0x2  }
0xc8: {  	s3 =	sand.u32 $0x4000, s31;
	s1 =	sadd.s32 s1, s30  }
0xc9: {  	s0 =	sor.u32 s3, s0;
	s1 =	sshll.u32 s1, $0x11  }
0xca: {  	s0 =	sor.u32 s1, s0  }
0xcb: {  	s0 =	sadd.s32 $0x8F2B, s0  }
0xcc: {  	[sflag:s0] =	ssyncadd.remote.s32 $0x1  }
0xcd: {  	_ =	sfence.sel $0xFFFF  }
0xce: {  	[dreg:$0x0] =	wrdreg $0xFFFFFFFF;
	(pc) =	sbr.abs _section_cstart, $3  }
0xcf: {  	[dreg:$0x1] =	wrdreg $0xFFFFFFFF  }
0xd0: {  	_ =	task.clear_ibuf [dreg:s13], $0x2FFFF;
	_ =	strace $0x9FFFFFFF  }
0xd1: {  	(tm) =	ssettm $0x7FFFFFFF  }
tec
execute0_lowered:
.L_overlay_start_1:
0x0: {  	(tag) =	ssettag $0x1  }
0x1: {  	s0 =	rddreg [dreg:$0x0]  }
0x2: {  	s2 =	rddreg [dreg:$0x1]  }
0x3: {  	s7 =	rddreg [dreg:$0x2]  }
0x4: {  	s8 =	rddreg [dreg:$0x3]  }
0x5: {  	s3 =	rddreg [dreg:$0x4]  }
0x6: {  	s9 =	rddreg [dreg:$0x5]  }
0x7: {  	s10 =	rddreg [dreg:$0x6]  }
0x8: {  	s1 =	rddreg [dreg:$0x7];
	s6 =	srdreg.scid  }
0x9: {  	s5 =	simm.s32 $0x0;
	s4 =	stileid.u32;
	s14 =	simm.s32 $0x880  }
0xa: {  	s15 =	simm.s32 $0x1;
	s6 =	sand.u32 $0x1, s6;
	s12 =	sshll.u32 s4, $0xC  }
0xb: {  	[smem:$0x7FF] =	sst s5;
	s11 =	ssub.s32 $0x2, s6;
	s6 =	sshll.u32 s6, $0xB  }
0xc: {  	_ =	strace $0x80000047;
	s13 =	sshrl.u32 s11, $0x1;
	s6 =	sor.u32 s6, s12  }
0xd: {  	s11 =	ssub.s32 s11, s13;
	s12 =	sshrl.u32 s6, $0x3;
	s13 =	simm.s32 $0x80  }
0xe: {  	s7 =	sadd.s32 s7, s12;
	s8 =	sadd.s32 s8, s12;
	s9 =	sadd.s32 s9, s12  }
0xf: {  	s10 =	sadd.s32 s10, s12;
	s11 =	smax.u32 s11, $0x1;
	s12 =	simm.s32 $0x2  }
.LBB2_1:
0x10: {  	[tilespmem:s5], [sflag:$0x2] =	stream.linear.gather [hbm4b:s3+s5], $0x1, $0x38;
	[tilespmem:$0x1080] =	vst v63  }
0x11: {  	_ =	swait.ge [sflag:s12], $0x1  }
0x12: {  	[sflag:s12] =	ssyncset.done $0x0  }
0x13: {  	[sflag:s12] =	ssyncadd.s32 $0xFFFFFFFF  }
0x14: {  	v0 =	vld [tilespmem:$0x0];
	_ =	sdelay $0x4  }
0x15: {  	(v2sf) =	vpush v0, $0x0;
	_ =	sdelay $0xe  }
0x16: {  	s16 =	spop (v2sf)  }
0x17: {  	p0 =	sgt.s32 s16, $0x0  }
0x18: {  	s16 =	simm.s32 @!p0 $0x0  }
0x19: {  	s16 =	smin.u32 s16, $0xF000  }
0x1a: {  	p0 =	slt.u32 s6, s16;
	s17 =	sadd.s32 $0x1000, s16  }
0x1b: {  	p1 =	sge.u32 @!p0 s6, s17  }
0x1c: {  	p0 =	por p0, p1  }
0x1d: {  	[tilespmem:s13], [sflag:$0x2] =	stream.linear.gather @p0 [hbm4b:s7+s5], $0x800, $0x38;
	[tilespmem:$0x1080] =	vst v63  }
0x1e: {  	s16 =	smov.u32 @p0 s8  }
0x1f: {  	_ =	swait.ge @p0 [sflag:s12], $0x800;
	s16 =	ssub.s32 @!p0 s6, s16  }
0x20: {  	[sflag:s12] =	ssyncset.done @p0 $0x0;
	s16 =	sshrl.u32 @!p0 s16, $0x3  }
0x21: {  	[sflag:s12] =	ssyncadd.s32 @p0 $0xFFFFF800;
	s17 =	sadd.s32 @!p0 s0, s16  }
0x22: {  	[tilespmem:s13], [sflag:$0x2] =	stream.linear.gather @!p0 [hbm4b:s17+s5], $0x800, $0x38;
	[tilespmem:$0x1080] =	vst v63  }
0x23: {  	_ =	swait.ge @!p0 [sflag:s12], $0x800  }
0x24: {  	[sflag:s12] =	ssyncset.done @!p0 $0x0  }
0x25: {  	s16 =	sadd.s32 @!p0 s2, s16;
	[sflag:s12] =	ssyncadd.s32 @!p0 $0xFFFFF800  }
0x26: {  	[tilespmem:s14], [sflag:$0x2] =	stream.linear.gather [hbm4b:s16+s5], $0x800, $0x38;
	[tilespmem:$0x1080] =	vst v63  }
0x27: {  	_ =	swait.ge [sflag:s12], $0x800  }
0x28: {  	[sflag:s12] =	ssyncset.done $0x0  }
0x29: {  	[sflag:s12] =	ssyncadd.s32 $0xFFFFF800  }
0x2a: {  	[hbm4b:s9+s5] =	stream.linear.scatter [tilespmem:s13], [sflag:$0x1], $0x800, $0x38;
	[tilespmem:$0x1080] =	vst v63  }
0x2b: {  	s11 =	sadd.s32 $0xFFFFFFFF, s11  }
0x2c: {  	[hbm4b:s10+s5] =	stream.linear.scatter [tilespmem:s14], [sflag:$0x1], $0x800, $0x38;
	[tilespmem:$0x1080] =	vst v63  }
0x2d: {  	p0 =	sne.s32 s11, $0x0;
	_ =	swait.ge [sflag:s15], $0x800  }
.Ltmp0:
0x2e: {  	[sflag:s15] =	ssyncset.done $0x0;
	(pc) =	sbr.rel @p0 .LBB2_1-.Ltmp0, $4  }
0x2f: {  	[sflag:s15] =	ssyncadd.s32 $0xFFFFF800  }
0x30: {  	_ =	swait.ge [sflag:s15], $0x800  }
0x31: {  	[sflag:s15] =	ssyncset.done $0x0  }
0x32: {  	[sflag:s15] =	ssyncadd.s32 $0xFFFFF800  }
0x33: {  	_ =	sfence.sel $0x180000  }
0x34: {  	[bflag:$0x0] =	sbarrier.arrive $0xFFFF  }
0x35: {  	p0 =	sne.s32 s4, $0x0;
	_ =	strace $0x90000047  }
0x36: {  	s0 =	sadd.s32 @!p0 $0x100000, s1;
	[bflag:$0x2] =	sbarrier.arrive $0xFFFF  }
0x37: {  	[sflag:s0] =	ssyncadd.tile.s32 @!p0 $0x1;
	_ =	shalt  }
.Lfunc_end2:
_tile_overlayer_lowered:
.L_overlay_start_2:
0x38: {  	(tag) =	ssettag $0x2  }
0x39: {  	s0 =	rddreg [dreg:$0x0];
	s2 =	stileid.u32  }
0x3a: {  	s1 =	rddreg [dreg:$0x1];
	p0 =	sne.s32 s2, $0x0  }
0x3b: {  	s3 =	rddreg [dreg:$0x2];
	[bflag:$0x3] =	sbarrier.arrive $0xFFFF;
	s2 =	simm.s32 @!p0 $0x1C02  }
0x3c: {  	[timem:s3], [sflag:s2] =	dma.local @!p0 [hbm:s0], s1  }
0x3d: {  	s0 =	simm.s32 @!p0 $0x2  }
0x3e: {  	_ =	swait.ge @!p0 [sflag:s0], s1  }
0x3f: {  	s1 =	ssub.s32 @!p0 $0x0, s1;
	[sflag:s0] =	ssyncset.done @!p0 $0x0  }
0x40: {  	[sflag:s0] =	ssyncadd.s32 @!p0 s1  }
0x41: {  	[bflag:$0x3] =	sbarrier.arrive $0xFFFF  }
0x42: {  	_ =	shalt  }

</sc_bundles>
